<compile_context>
chip_gen: v7x
topology: tpu7x:2x2x1
jax: 0.10.2.dev20260603
libtpu: 0.0.44.dev20260713+nightly
codegen_flags: <defaults>
</compile_context>

<pallas_src>
import functools

import jax
import jax.numpy as jnp
from jax import lax
from jax.experimental import pallas as pl
from jax.experimental.pallas import tpu as pltpu
from jax.experimental.pallas import tpu_sc as plsc

_NS = 16
_L = 16
_N = 65536
_NW = _NS
_CHUNK = _N // _NW
_NVEC = _CHUNK // _L
_NBIN = 16
_UNROLL = 4
_NBANK = 4


def _sc_body(idx_hbm, vals_hbm, out_hbm,
             rc_v, val_v, acc_v, part_v, red_v, out_v, shared,
             sem_a, sem_b):
    s = lax.axis_index("s")
    base = s * _CHUNK
    cp_i = pltpu.async_copy(idx_hbm.at[:, pl.ds(base, _CHUNK)], rc_v, sem_a)
    cp_v = pltpu.async_copy(vals_hbm.at[pl.ds(base, _CHUNK)], val_v, sem_b)

    zero = jnp.zeros((_L,), jnp.float32)
    for i in range(_NBANK * _NBIN):
        acc_v[pl.ds(i * _L, _L)] = zero

    lane16 = lax.iota(jnp.int32, _L) * _NBIN
    cp_i.wait()
    cp_v.wait()

    @plsc.parallel_loop(0, _NVEC, 1, unroll=_UNROLL)
    def _loop(i):
        off = i * _L
        r = rc_v[0, pl.ds(off, _L)]
        cc = rc_v[1, pl.ds(off, _L)]
        v = val_v[pl.ds(off, _L)]
        bank = (i % _NBANK) * (_NBIN * _L)
        idx = bank + lane16 + r * 4 + cc
        plsc.addupdate_scatter(acc_v, [idx], v)

    part = acc_v[pl.ds(0, _L)]
    for l in range(1, _NBANK * _NS):
        part = part + acc_v[pl.ds(l * _L, _L)]
    part_v[...] = part

    pltpu.sync_copy(part_v, shared.at[pl.ds(s * _L, _L)])
    plsc.subcore_barrier()

    @pl.when(s == 0)
    def _():
        pltpu.sync_copy(shared, red_v)
        tot = red_v[pl.ds(0, _L)]
        for l in range(1, _NS):
            tot = tot + red_v[pl.ds(l * _L, _L)]
        lane = lax.iota(jnp.int32, _L)
        plsc.store_scatter(out_v, [lane // 4, lane % 4], tot)
        pltpu.sync_copy(out_v, out_hbm)


_sc_scatter = functools.partial(
    pl.kernel,
    out_type=jax.ShapeDtypeStruct((4, 4), jnp.float32),
    mesh=plsc.VectorSubcoreMesh(
        core_axis_name="c", subcore_axis_name="s", num_cores=1),
    compiler_params=pltpu.CompilerParams(needs_layout_passes=False),
    scratch_types=[
        pltpu.VMEM((2, _CHUNK), jnp.int32),
        pltpu.VMEM((_CHUNK,), jnp.float32),
        pltpu.VMEM((_NBANK * _NBIN * _L,), jnp.float32),
        pltpu.VMEM((_L,), jnp.float32),
        pltpu.VMEM((_NS * _L,), jnp.float32),
        pltpu.VMEM((4, 4), jnp.float32),
        pltpu.VMEM_SHARED((_NS * _L,), jnp.float32),
        pltpu.SemaphoreType.DMA,
        pltpu.SemaphoreType.DMA,
    ],
)(_sc_body)


def kernel(indices, values):
    return _sc_scatter(indices.astype(jnp.int32), values)

# --- scband reference (transcript-rebuilt; emitter-appended) ---
"""Pipeline reference for scband-sparse-coo-tensor-op-73710228734295 (READ-ONLY COPY).

The authoritative reference and input builder live on the scoring server;
editing this copy changes nothing except your own understanding.
"""

import jax, jax.numpy as jnp
import numpy as np


def setup_inputs(seed: int = 0) -> dict:
    key = jax.random.key(seed)
    k1, k2 = jax.random.split(key)
    indices = jax.random.randint(k1, (2, 65536), 0, 4, dtype=jnp.int64 if jax.config.jax_enable_x64 else jnp.int32)
    values = jax.random.normal(k2, (65536,), dtype=jnp.float32)
    return {"indices": indices, "values": values}


def reference(indices, values):
    # torch.sparse_coo_tensor(indices, values, size=(4,4)) builds an uncoalesced
    # sparse COO tensor; its dense semantics sum duplicate coordinates.
    # Faithful jax translation: scatter-add values into a (4,4) dense tensor.
    out = jnp.zeros((4, 4), dtype=values.dtype)
    out = out.at[indices[0], indices[1]].add(values)
    return out

if __name__ == "__main__":
    import jax
    _d = setup_inputs()
    print(jax.jit(kernel)(*tuple(_d.values())))

</pallas_src>

<mosaic_0001>
#map = affine_map<(d0, d1) -> (0, 0)>
#map1 = affine_map<(d0, d1) -> (0)>
module attributes {stable_mosaic.version = 14 : i64} {
  func.func @_sc_body(%arg0: i32, %arg1: i32, %arg2: memref<2x65536xi32, #tpu.memory_space<hbm>>, %arg3: memref<65536xf32, #tpu.memory_space<hbm>>, %arg4: memref<4x4xf32, #tpu.memory_space<hbm>>, %arg5: memref<2x4096xi32, #tpu.memory_space<vmem>>, %arg6: memref<4096xf32, #tpu.memory_space<vmem>>, %arg7: memref<1024xf32, #tpu.memory_space<vmem>>, %arg8: memref<16xf32, #tpu.memory_space<vmem>>, %arg9: memref<256xf32, #tpu.memory_space<vmem>>, %arg10: memref<4x4xf32, #tpu.memory_space<vmem>>, %arg11: memref<256xf32, #tpu.memory_space<vmem_shared>>, %arg12: memref<!tpu.dma_semaphore, #tpu.memory_space<semaphore_mem>>, %arg13: memref<!tpu.dma_semaphore, #tpu.memory_space<semaphore_mem>>) attributes {dimension_semantics = [#tpu.dimension_semantics<core_parallel>, #tpu.dimension_semantics<subcore_parallel>], iteration_bounds = array<i64: 1, 16>, scalar_prefetch = 0 : i64, scratch_operands = 9 : i64, tpu.core_type = #tpu.core_type<sc_vector_subcore>, window_params = [{transform_indices = #map}, {transform_indices = #map1}, {transform_indices = #map}]} {
    %mul3A = arith.constant 4096 : i32
    %mul3A_0 = arith.muli %arg1, %mul3A : i32
    %dma_start3A = arith.constant 0 : i32
    %dma_start3A_1 = tpu.memref_slice %arg2[%dma_start3A, %mul3A_0] : memref<2x65536xi32, #tpu.memory_space<hbm>> -> memref<2x4096xi32, #tpu.memory_space<hbm>>
    %dma_start3A_2 = arith.constant 0 : i32
    %dma_start3A_3 = tpu.memref_slice %arg2[%dma_start3A_2, %mul3A_0] : memref<2x65536xi32, #tpu.memory_space<hbm>> -> memref<2x4096xi32, #tpu.memory_space<hbm>>
    tpu.enqueue_dma source(%dma_start3A_3 : memref<2x4096xi32, #tpu.memory_space<hbm>>) target(%arg5 : memref<2x4096xi32, #tpu.memory_space<vmem>>) target_semaphore(%arg12 : memref<!tpu.dma_semaphore, #tpu.memory_space<semaphore_mem>>)
    %dma_start3A_4 = tpu.memref_slice %arg3[%mul3A_0] : memref<65536xf32, #tpu.memory_space<hbm>> -> memref<4096xf32, #tpu.memory_space<hbm>>
    %dma_start3A_5 = tpu.memref_slice %arg3[%mul3A_0] : memref<65536xf32, #tpu.memory_space<hbm>> -> memref<4096xf32, #tpu.memory_space<hbm>>
    tpu.enqueue_dma source(%dma_start3A_5 : memref<4096xf32, #tpu.memory_space<hbm>>) target(%arg6 : memref<4096xf32, #tpu.memory_space<vmem>>) target_semaphore(%arg13 : memref<!tpu.dma_semaphore, #tpu.memory_space<semaphore_mem>>)
    %broadcast_in_dim3A = arith.constant 0.000000e+00 : f32
    %broadcast_in_dim3A_6 = vector.broadcast %broadcast_in_dim3A : f32 to vector<16xf32>
    %swap3A = arith.constant 0 : index
    %swap3A_7 = tpu.vector_load %arg7[%swap3A] {strides = array<i32>} : memref<1024xf32, #tpu.memory_space<vmem>>, vector<16xf32>,
    tpu.vector_store %arg7[%swap3A], %broadcast_in_dim3A_6 {strides = array<i32>} : memref<1024xf32, #tpu.memory_space<vmem>>, vector<16xf32>,
    %swap3A_8 = arith.constant 16 : index
    %swap3A_9 = tpu.vector_load %arg7[%swap3A_8] {strides = array<i32>} : memref<1024xf32, #tpu.memory_space<vmem>>, vector<16xf32>,
    tpu.vector_store %arg7[%swap3A_8], %broadcast_in_dim3A_6 {strides = array<i32>} : memref<1024xf32, #tpu.memory_space<vmem>>, vector<16xf32>,
    %swap3A_10 = arith.constant 32 : index
    %swap3A_11 = tpu.vector_load %arg7[%swap3A_10] {strides = array<i32>} : memref<1024xf32, #tpu.memory_space<vmem>>, vector<16xf32>,
    tpu.vector_store %arg7[%swap3A_10], %broadcast_in_dim3A_6 {strides = array<i32>} : memref<1024xf32, #tpu.memory_space<vmem>>, vector<16xf32>,
    %swap3A_12 = arith.constant 48 : index
    %swap3A_13 = tpu.vector_load %arg7[%swap3A_12] {strides = array<i32>} : memref<1024xf32, #tpu.memory_space<vmem>>, vector<16xf32>,
    tpu.vector_store %arg7[%swap3A_12], %broadcast_in_dim3A_6 {strides = array<i32>} : memref<1024xf32, #tpu.memory_space<vmem>>, vector<16xf32>,
    %swap3A_14 = arith.constant 64 : index
    %swap3A_15 = tpu.vector_load %arg7[%swap3A_14] {strides = array<i32>} : memref<1024xf32, #tpu.memory_space<vmem>>, vector<16xf32>,
    tpu.vector_store %arg7[%swap3A_14], %broadcast_in_dim3A_6 {strides = array<i32>} : memref<1024xf32, #tpu.memory_space<vmem>>, vector<16xf32>,
    %swap3A_16 = arith.constant 80 : index
    %swap3A_17 = tpu.vector_load %arg7[%swap3A_16] {strides = array<i32>} : memref<1024xf32, #tpu.memory_space<vmem>>, vector<16xf32>,
    tpu.vector_store %arg7[%swap3A_16], %broadcast_in_dim3A_6 {strides = array<i32>} : memref<1024xf32, #tpu.memory_space<vmem>>, vector<16xf32>,
    %swap3A_18 = arith.constant 96 : index
    %swap3A_19 = tpu.vector_load %arg7[%swap3A_18] {strides = array<i32>} : memref<1024xf32, #tpu.memory_space<vmem>>, vector<16xf32>,
    tpu.vector_store %arg7[%swap3A_18], %broadcast_in_dim3A_6 {strides = array<i32>} : memref<1024xf32, #tpu.memory_space<vmem>>, vector<16xf32>,
    %swap3A_20 = arith.constant 112 : index
    %swap3A_21 = tpu.vector_load %arg7[%swap3A_20] {strides = array<i32>} : memref<1024xf32, #tpu.memory_space<vmem>>, vector<16xf32>,
    tpu.vector_store %arg7[%swap3A_20], %broadcast_in_dim3A_6 {strides = array<i32>} : memref<1024xf32, #tpu.memory_space<vmem>>, vector<16xf32>,
    %swap3A_22 = arith.constant 128 : index
    %swap3A_23 = tpu.vector_load %arg7[%swap3A_22] {strides = array<i32>} : memref<1024xf32, #tpu.memory_space<vmem>>, vector<16xf32>,
    tpu.vector_store %arg7[%swap3A_22], %broadcast_in_dim3A_6 {strides = array<i32>} : memref<1024xf32, #tpu.memory_space<vmem>>, vector<16xf32>,
    %swap3A_24 = arith.constant 144 : index
    %swap3A_25 = tpu.vector_load %arg7[%swap3A_24] {strides = array<i32>} : memref<1024xf32, #tpu.memory_space<vmem>>, vector<16xf32>,
    tpu.vector_store %arg7[%swap3A_24], %broadcast_in_dim3A_6 {strides = array<i32>} : memref<1024xf32, #tpu.memory_space<vmem>>, vector<16xf32>,
    %swap3A_26 = arith.constant 160 : index
    %swap3A_27 = tpu.vector_load %arg7[%swap3A_26] {strides = array<i32>} : memref<1024xf32, #tpu.memory_space<vmem>>, vector<16xf32>,
    tpu.vector_store %arg7[%swap3A_26], %broadcast_in_dim3A_6 {strides = array<i32>} : memref<1024xf32, #tpu.memory_space<vmem>>, vector<16xf32>,
    %swap3A_28 = arith.constant 176 : index
    %swap3A_29 = tpu.vector_load %arg7[%swap3A_28] {strides = array<i32>} : memref<1024xf32, #tpu.memory_space<vmem>>, vector<16xf32>,
    tpu.vector_store %arg7[%swap3A_28], %broadcast_in_dim3A_6 {strides = array<i32>} : memref<1024xf32, #tpu.memory_space<vmem>>, vector<16xf32>,
    %swap3A_30 = arith.constant 192 : index
    %swap3A_31 = tpu.vector_load %arg7[%swap3A_30] {strides = array<i32>} : memref<1024xf32, #tpu.memory_space<vmem>>, vector<16xf32>,
    tpu.vector_store %arg7[%swap3A_30], %broadcast_in_dim3A_6 {strides = array<i32>} : memref<1024xf32, #tpu.memory_space<vmem>>, vector<16xf32>,
    %swap3A_32 = arith.constant 208 : index
    %swap3A_33 = tpu.vector_load %arg7[%swap3A_32] {strides = array<i32>} : memref<1024xf32, #tpu.memory_space<vmem>>, vector<16xf32>,
    tpu.vector_store %arg7[%swap3A_32], %broadcast_in_dim3A_6 {strides = array<i32>} : memref<1024xf32, #tpu.memory_space<vmem>>, vector<16xf32>,
    %swap3A_34 = arith.constant 224 : index
    %swap3A_35 = tpu.vector_load %arg7[%swap3A_34] {strides = array<i32>} : memref<1024xf32, #tpu.memory_space<vmem>>, vector<16xf32>,
    tpu.vector_store %arg7[%swap3A_34], %broadcast_in_dim3A_6 {strides = array<i32>} : memref<1024xf32, #tpu.memory_space<vmem>>, vector<16xf32>,
    %swap3A_36 = arith.constant 240 : index
    %swap3A_37 = tpu.vector_load %arg7[%swap3A_36] {strides = array<i32>} : memref<1024xf32, #tpu.memory_space<vmem>>, vector<16xf32>,
    tpu.vector_store %arg7[%swap3A_36], %broadcast_in_dim3A_6 {strides = array<i32>} : memref<1024xf32, #tpu.memory_space<vmem>>, vector<16xf32>,
    %swap3A_38 = arith.constant 256 : index
    %swap3A_39 = tpu.vector_load %arg7[%swap3A_38] {strides = array<i32>} : memref<1024xf32, #tpu.memory_space<vmem>>, vector<16xf32>,
    tpu.vector_store %arg7[%swap3A_38], %broadcast_in_dim3A_6 {strides = array<i32>} : memref<1024xf32, #tpu.memory_space<vmem>>, vector<16xf32>,
    %swap3A_40 = arith.constant 272 : index
    %swap3A_41 = tpu.vector_load %arg7[%swap3A_40] {strides = array<i32>} : memref<1024xf32, #tpu.memory_space<vmem>>, vector<16xf32>,
    tpu.vector_store %arg7[%swap3A_40], %broadcast_in_dim3A_6 {strides = array<i32>} : memref<1024xf32, #tpu.memory_space<vmem>>, vector<16xf32>,
    %swap3A_42 = arith.constant 288 : index
    %swap3A_43 = tpu.vector_load %arg7[%swap3A_42] {strides = array<i32>} : memref<1024xf32, #tpu.memory_space<vmem>>, vector<16xf32>,
    tpu.vector_store %arg7[%swap3A_42], %broadcast_in_dim3A_6 {strides = array<i32>} : memref<1024xf32, #tpu.memory_space<vmem>>, vector<16xf32>,
    %swap3A_44 = arith.constant 304 : index
    %swap3A_45 = tpu.vector_load %arg7[%swap3A_44] {strides = array<i32>} : memref<1024xf32, #tpu.memory_space<vmem>>, vector<16xf32>,
    tpu.vector_store %arg7[%swap3A_44], %broadcast_in_dim3A_6 {strides = array<i32>} : memref<1024xf32, #tpu.memory_space<vmem>>, vector<16xf32>,
    %swap3A_46 = arith.constant 320 : index
    %swap3A_47 = tpu.vector_load %arg7[%swap3A_46] {strides = array<i32>} : memref<1024xf32, #tpu.memory_space<vmem>>, vector<16xf32>,
    tpu.vector_store %arg7[%swap3A_46], %broadcast_in_dim3A_6 {strides = array<i32>} : memref<1024xf32, #tpu.memory_space<vmem>>, vector<16xf32>,
    %swap3A_48 = arith.constant 336 : index
    %swap3A_49 = tpu.vector_load %arg7[%swap3A_48] {strides = array<i32>} : memref<1024xf32, #tpu.memory_space<vmem>>, vector<16xf32>,
    tpu.vector_store %arg7[%swap3A_48], %broadcast_in_dim3A_6 {strides = array<i32>} : memref<1024xf32, #tpu.memory_space<vmem>>, vector<16xf32>,
    %swap3A_50 = arith.constant 352 : index
    %swap3A_51 = tpu.vector_load %arg7[%swap3A_50] {strides = array<i32>} : memref<1024xf32, #tpu.memory_space<vmem>>, vector<16xf32>,
    tpu.vector_store %arg7[%swap3A_50], %broadcast_in_dim3A_6 {strides = array<i32>} : memref<1024xf32, #tpu.memory_space<vmem>>, vector<16xf32>,
    %swap3A_52 = arith.constant 368 : index
    %swap3A_53 = tpu.vector_load %arg7[%swap3A_52] {strides = array<i32>} : memref<1024xf32, #tpu.memory_space<vmem>>, vector<16xf32>,
    tpu.vector_store %arg7[%swap3A_52], %broadcast_in_dim3A_6 {strides = array<i32>} : memref<1024xf32, #tpu.memory_space<vmem>>, vector<16xf32>,
    %swap3A_54 = arith.constant 384 : index
    %swap3A_55 = tpu.vector_load %arg7[%swap3A_54] {strides = array<i32>} : memref<1024xf32, #tpu.memory_space<vmem>>, vector<16xf32>,
    tpu.vector_store %arg7[%swap3A_54], %broadcast_in_dim3A_6 {strides = array<i32>} : memref<1024xf32, #tpu.memory_space<vmem>>, vector<16xf32>,
    %swap3A_56 = arith.constant 400 : index
    %swap3A_57 = tpu.vector_load %arg7[%swap3A_56] {strides = array<i32>} : memref<1024xf32, #tpu.memory_space<vmem>>, vector<16xf32>,
    tpu.vector_store %arg7[%swap3A_56], %broadcast_in_dim3A_6 {strides = array<i32>} : memref<1024xf32, #tpu.memory_space<vmem>>, vector<16xf32>,
    %swap3A_58 = arith.constant 416 : index
    %swap3A_59 = tpu.vector_load %arg7[%swap3A_58] {strides = array<i32>} : memref<1024xf32, #tpu.memory_space<vmem>>, vector<16xf32>,
    tpu.vector_store %arg7[%swap3A_58], %broadcast_in_dim3A_6 {strides = array<i32>} : memref<1024xf32, #tpu.memory_space<vmem>>, vector<16xf32>,
    %swap3A_60 = arith.constant 432 : index
    %swap3A_61 = tpu.vector_load %arg7[%swap3A_60] {strides = array<i32>} : memref<1024xf32, #tpu.memory_space<vmem>>, vector<16xf32>,
    tpu.vector_store %arg7[%swap3A_60], %broadcast_in_dim3A_6 {strides = array<i32>} : memref<1024xf32, #tpu.memory_space<vmem>>, vector<16xf32>,
    %swap3A_62 = arith.constant 448 : index
    %swap3A_63 = tpu.vector_load %arg7[%swap3A_62] {strides = array<i32>} : memref<1024xf32, #tpu.memory_space<vmem>>, vector<16xf32>,
    tpu.vector_store %arg7[%swap3A_62], %broadcast_in_dim3A_6 {strides = array<i32>} : memref<1024xf32, #tpu.memory_space<vmem>>, vector<16xf32>,
    %swap3A_64 = arith.constant 464 : index
    %swap3A_65 = tpu.vector_load %arg7[%swap3A_64] {strides = array<i32>} : memref<1024xf32, #tpu.memory_space<vmem>>, vector<16xf32>,
    tpu.vector_store %arg7[%swap3A_64], %broadcast_in_dim3A_6 {strides = array<i32>} : memref<1024xf32, #tpu.memory_space<vmem>>, vector<16xf32>,
    %swap3A_66 = arith.constant 480 : index
    %swap3A_67 = tpu.vector_load %arg7[%swap3A_66] {strides = array<i32>} : memref<1024xf32, #tpu.memory_space<vmem>>, vector<16xf32>,
    tpu.vector_store %arg7[%swap3A_66], %broadcast_in_dim3A_6 {strides = array<i32>} : memref<1024xf32, #tpu.memory_space<vmem>>, vector<16xf32>,
    %swap3A_68 = arith.constant 496 : index
    %swap3A_69 = tpu.vector_load %arg7[%swap3A_68] {strides = array<i32>} : memref<1024xf32, #tpu.memory_space<vmem>>, vector<16xf32>,
    tpu.vector_store %arg7[%swap3A_68], %broadcast_in_dim3A_6 {strides = array<i32>} : memref<1024xf32, #tpu.memory_space<vmem>>, vector<16xf32>,
    %swap3A_70 = arith.constant 512 : index
    %swap3A_71 = tpu.vector_load %arg7[%swap3A_70] {strides = array<i32>} : memref<1024xf32, #tpu.memory_space<vmem>>, vector<16xf32>,
    tpu.vector_store %arg7[%swap3A_70], %broadcast_in_dim3A_6 {strides = array<i32>} : memref<1024xf32, #tpu.memory_space<vmem>>, vector<16xf32>,
    %swap3A_72 = arith.constant 528 : index
    %swap3A_73 = tpu.vector_load %arg7[%swap3A_72] {strides = array<i32>} : memref<1024xf32, #tpu.memory_space<vmem>>, vector<16xf32>,
    tpu.vector_store %arg7[%swap3A_72], %broadcast_in_dim3A_6 {strides = array<i32>} : memref<1024xf32, #tpu.memory_space<vmem>>, vector<16xf32>,
    %swap3A_74 = arith.constant 544 : index
    %swap3A_75 = tpu.vector_load %arg7[%swap3A_74] {strides = array<i32>} : memref<1024xf32, #tpu.memory_space<vmem>>, vector<16xf32>,
    tpu.vector_store %arg7[%swap3A_74], %broadcast_in_dim3A_6 {strides = array<i32>} : memref<1024xf32, #tpu.memory_space<vmem>>, vector<16xf32>,
    %swap3A_76 = arith.constant 560 : index
    %swap3A_77 = tpu.vector_load %arg7[%swap3A_76] {strides = array<i32>} : memref<1024xf32, #tpu.memory_space<vmem>>, vector<16xf32>,
    tpu.vector_store %arg7[%swap3A_76], %broadcast_in_dim3A_6 {strides = array<i32>} : memref<1024xf32, #tpu.memory_space<vmem>>, vector<16xf32>,
    %swap3A_78 = arith.constant 576 : index
    %swap3A_79 = tpu.vector_load %arg7[%swap3A_78] {strides = array<i32>} : memref<1024xf32, #tpu.memory_space<vmem>>, vector<16xf32>,
    tpu.vector_store %arg7[%swap3A_78], %broadcast_in_dim3A_6 {strides = array<i32>} : memref<1024xf32, #tpu.memory_space<vmem>>, vector<16xf32>,
    %swap3A_80 = arith.constant 592 : index
    %swap3A_81 = tpu.vector_load %arg7[%swap3A_80] {strides = array<i32>} : memref<1024xf32, #tpu.memory_space<vmem>>, vector<16xf32>,
    tpu.vector_store %arg7[%swap3A_80], %broadcast_in_dim3A_6 {strides = array<i32>} : memref<1024xf32, #tpu.memory_space<vmem>>, vector<16xf32>,
    %swap3A_82 = arith.constant 608 : index
    %swap3A_83 = tpu.vector_load %arg7[%swap3A_82] {strides = array<i32>} : memref<1024xf32, #tpu.memory_space<vmem>>, vector<16xf32>,
    tpu.vector_store %arg7[%swap3A_82], %broadcast_in_dim3A_6 {strides = array<i32>} : memref<1024xf32, #tpu.memory_space<vmem>>, vector<16xf32>,
    %swap3A_84 = arith.constant 624 : index
    %swap3A_85 = tpu.vector_load %arg7[%swap3A_84] {strides = array<i32>} : memref<1024xf32, #tpu.memory_space<vmem>>, vector<16xf32>,
    tpu.vector_store %arg7[%swap3A_84], %broadcast_in_dim3A_6 {strides = array<i32>} : memref<1024xf32, #tpu.memory_space<vmem>>, vector<16xf32>,
    %swap3A_86 = arith.constant 640 : index
    %swap3A_87 = tpu.vector_load %arg7[%swap3A_86] {strides = array<i32>} : memref<1024xf32, #tpu.memory_space<vmem>>, vector<16xf32>,
    tpu.vector_store %arg7[%swap3A_86], %broadcast_in_dim3A_6 {strides = array<i32>} : memref<1024xf32, #tpu.memory_space<vmem>>, vector<16xf32>,
    %swap3A_88 = arith.constant 656 : index
    %swap3A_89 = tpu.vector_load %arg7[%swap3A_88] {strides = array<i32>} : memref<1024xf32, #tpu.memory_space<vmem>>, vector<16xf32>,
    tpu.vector_store %arg7[%swap3A_88], %broadcast_in_dim3A_6 {strides = array<i32>} : memref<1024xf32, #tpu.memory_space<vmem>>, vector<16xf32>,
    %swap3A_90 = arith.constant 672 : index
    %swap3A_91 = tpu.vector_load %arg7[%swap3A_90] {strides = array<i32>} : memref<1024xf32, #tpu.memory_space<vmem>>, vector<16xf32>,
    tpu.vector_store %arg7[%swap3A_90], %broadcast_in_dim3A_6 {strides = array<i32>} : memref<1024xf32, #tpu.memory_space<vmem>>, vector<16xf32>,
    %swap3A_92 = arith.constant 688 : index
    %swap3A_93 = tpu.vector_load %arg7[%swap3A_92] {strides = array<i32>} : memref<1024xf32, #tpu.memory_space<vmem>>, vector<16xf32>,
    tpu.vector_store %arg7[%swap3A_92], %broadcast_in_dim3A_6 {strides = array<i32>} : memref<1024xf32, #tpu.memory_space<vmem>>, vector<16xf32>,
    %swap3A_94 = arith.constant 704 : index
    %swap3A_95 = tpu.vector_load %arg7[%swap3A_94] {strides = array<i32>} : memref<1024xf32, #tpu.memory_space<vmem>>, vector<16xf32>,
    tpu.vector_store %arg7[%swap3A_94], %broadcast_in_dim3A_6 {strides = array<i32>} : memref<1024xf32, #tpu.memory_space<vmem>>, vector<16xf32>,
    %swap3A_96 = arith.constant 720 : index
    %swap3A_97 = tpu.vector_load %arg7[%swap3A_96] {strides = array<i32>} : memref<1024xf32, #tpu.memory_space<vmem>>, vector<16xf32>,
    tpu.vector_store %arg7[%swap3A_96], %broadcast_in_dim3A_6 {strides = array<i32>} : memref<1024xf32, #tpu.memory_space<vmem>>, vector<16xf32>,
    %swap3A_98 = arith.constant 736 : index
    %swap3A_99 = tpu.vector_load %arg7[%swap3A_98] {strides = array<i32>} : memref<1024xf32, #tpu.memory_space<vmem>>, vector<16xf32>,
    tpu.vector_store %arg7[%swap3A_98], %broadcast_in_dim3A_6 {strides = array<i32>} : memref<1024xf32, #tpu.memory_space<vmem>>, vector<16xf32>,
    %swap3A_100 = arith.constant 752 : index
    %swap3A_101 = tpu.vector_load %arg7[%swap3A_100] {strides = array<i32>} : memref<1024xf32, #tpu.memory_space<vmem>>, vector<16xf32>,
    tpu.vector_store %arg7[%swap3A_100], %broadcast_in_dim3A_6 {strides = array<i32>} : memref<1024xf32, #tpu.memory_space<vmem>>, vector<16xf32>,
    %swap3A_102 = arith.constant 768 : index
    %swap3A_103 = tpu.vector_load %arg7[%swap3A_102] {strides = array<i32>} : memref<1024xf32, #tpu.memory_space<vmem>>, vector<16xf32>,
    tpu.vector_store %arg7[%swap3A_102], %broadcast_in_dim3A_6 {strides = array<i32>} : memref<1024xf32, #tpu.memory_space<vmem>>, vector<16xf32>,
    %swap3A_104 = arith.constant 784 : index
    %swap3A_105 = tpu.vector_load %arg7[%swap3A_104] {strides = array<i32>} : memref<1024xf32, #tpu.memory_space<vmem>>, vector<16xf32>,
    tpu.vector_store %arg7[%swap3A_104], %broadcast_in_dim3A_6 {strides = array<i32>} : memref<1024xf32, #tpu.memory_space<vmem>>, vector<16xf32>,
    %swap3A_106 = arith.constant 800 : index
    %swap3A_107 = tpu.vector_load %arg7[%swap3A_106] {strides = array<i32>} : memref<1024xf32, #tpu.memory_space<vmem>>, vector<16xf32>,
    tpu.vector_store %arg7[%swap3A_106], %broadcast_in_dim3A_6 {strides = array<i32>} : memref<1024xf32, #tpu.memory_space<vmem>>, vector<16xf32>,
    %swap3A_108 = arith.constant 816 : index
    %swap3A_109 = tpu.vector_load %arg7[%swap3A_108] {strides = array<i32>} : memref<1024xf32, #tpu.memory_space<vmem>>, vector<16xf32>,
    tpu.vector_store %arg7[%swap3A_108], %broadcast_in_dim3A_6 {strides = array<i32>} : memref<1024xf32, #tpu.memory_space<vmem>>, vector<16xf32>,
    %swap3A_110 = arith.constant 832 : index
    %swap3A_111 = tpu.vector_load %arg7[%swap3A_110] {strides = array<i32>} : memref<1024xf32, #tpu.memory_space<vmem>>, vector<16xf32>,
    tpu.vector_store %arg7[%swap3A_110], %broadcast_in_dim3A_6 {strides = array<i32>} : memref<1024xf32, #tpu.memory_space<vmem>>, vector<16xf32>,
    %swap3A_112 = arith.constant 848 : index
    %swap3A_113 = tpu.vector_load %arg7[%swap3A_112] {strides = array<i32>} : memref<1024xf32, #tpu.memory_space<vmem>>, vector<16xf32>,
    tpu.vector_store %arg7[%swap3A_112], %broadcast_in_dim3A_6 {strides = array<i32>} : memref<1024xf32, #tpu.memory_space<vmem>>, vector<16xf32>,
    %swap3A_114 = arith.constant 864 : index
    %swap3A_115 = tpu.vector_load %arg7[%swap3A_114] {strides = array<i32>} : memref<1024xf32, #tpu.memory_space<vmem>>, vector<16xf32>,
    tpu.vector_store %arg7[%swap3A_114], %broadcast_in_dim3A_6 {strides = array<i32>} : memref<1024xf32, #tpu.memory_space<vmem>>, vector<16xf32>,
    %swap3A_116 = arith.constant 880 : index
    %swap3A_117 = tpu.vector_load %arg7[%swap3A_116] {strides = array<i32>} : memref<1024xf32, #tpu.memory_space<vmem>>, vector<16xf32>,
    tpu.vector_store %arg7[%swap3A_116], %broadcast_in_dim3A_6 {strides = array<i32>} : memref<1024xf32, #tpu.memory_space<vmem>>, vector<16xf32>,
    %swap3A_118 = arith.constant 896 : index
    %swap3A_119 = tpu.vector_load %arg7[%swap3A_118] {strides = array<i32>} : memref<1024xf32, #tpu.memory_space<vmem>>, vector<16xf32>,
    tpu.vector_store %arg7[%swap3A_118], %broadcast_in_dim3A_6 {strides = array<i32>} : memref<1024xf32, #tpu.memory_space<vmem>>, vector<16xf32>,
    %swap3A_120 = arith.constant 912 : index
    %swap3A_121 = tpu.vector_load %arg7[%swap3A_120] {strides = array<i32>} : memref<1024xf32, #tpu.memory_space<vmem>>, vector<16xf32>,
    tpu.vector_store %arg7[%swap3A_120], %broadcast_in_dim3A_6 {strides = array<i32>} : memref<1024xf32, #tpu.memory_space<vmem>>, vector<16xf32>,
    %swap3A_122 = arith.constant 928 : index
    %swap3A_123 = tpu.vector_load %arg7[%swap3A_122] {strides = array<i32>} : memref<1024xf32, #tpu.memory_space<vmem>>, vector<16xf32>,
    tpu.vector_store %arg7[%swap3A_122], %broadcast_in_dim3A_6 {strides = array<i32>} : memref<1024xf32, #tpu.memory_space<vmem>>, vector<16xf32>,
    %swap3A_124 = arith.constant 944 : index
    %swap3A_125 = tpu.vector_load %arg7[%swap3A_124] {strides = array<i32>} : memref<1024xf32, #tpu.memory_space<vmem>>, vector<16xf32>,
    tpu.vector_store %arg7[%swap3A_124], %broadcast_in_dim3A_6 {strides = array<i32>} : memref<1024xf32, #tpu.memory_space<vmem>>, vector<16xf32>,
    %swap3A_126 = arith.constant 960 : index
    %swap3A_127 = tpu.vector_load %arg7[%swap3A_126] {strides = array<i32>} : memref<1024xf32, #tpu.memory_space<vmem>>, vector<16xf32>,
    tpu.vector_store %arg7[%swap3A_126], %broadcast_in_dim3A_6 {strides = array<i32>} : memref<1024xf32, #tpu.memory_space<vmem>>, vector<16xf32>,
    %swap3A_128 = arith.constant 976 : index
    %swap3A_129 = tpu.vector_load %arg7[%swap3A_128] {strides = array<i32>} : memref<1024xf32, #tpu.memory_space<vmem>>, vector<16xf32>,
    tpu.vector_store %arg7[%swap3A_128], %broadcast_in_dim3A_6 {strides = array<i32>} : memref<1024xf32, #tpu.memory_space<vmem>>, vector<16xf32>,
    %swap3A_130 = arith.constant 992 : index
    %swap3A_131 = tpu.vector_load %arg7[%swap3A_130] {strides = array<i32>} : memref<1024xf32, #tpu.memory_space<vmem>>, vector<16xf32>,
    tpu.vector_store %arg7[%swap3A_130], %broadcast_in_dim3A_6 {strides = array<i32>} : memref<1024xf32, #tpu.memory_space<vmem>>, vector<16xf32>,
    %swap3A_132 = arith.constant 1008 : index
    %swap3A_133 = tpu.vector_load %arg7[%swap3A_132] {strides = array<i32>} : memref<1024xf32, #tpu.memory_space<vmem>>, vector<16xf32>,
    tpu.vector_store %arg7[%swap3A_132], %broadcast_in_dim3A_6 {strides = array<i32>} : memref<1024xf32, #tpu.memory_space<vmem>>, vector<16xf32>,
    %iota3A = tpu.iota {dimensions = array<i32: 0>} : vector<16xi32>
    %mul3A_134 = arith.constant 16 : i32
    %mul3A_135 = vector.broadcast %mul3A_134 : i32 to vector<16xi32>
    %mul3A_136 = arith.muli %iota3A, %mul3A_135 : vector<16xi32>
    %dma_wait3A = arith.constant 0 : i32
    %dma_wait3A_137 = tpu.memref_slice %arg2[%dma_wait3A, %mul3A_0] : memref<2x65536xi32, #tpu.memory_space<hbm>> -> memref<2x4096xi32, #tpu.memory_space<hbm>>
    %dma_wait3A_138 = arith.constant 0 : i32
    %dma_wait3A_139 = tpu.memref_slice %arg2[%dma_wait3A_138, %mul3A_0] : memref<2x65536xi32, #tpu.memory_space<hbm>> -> memref<2x4096xi32, #tpu.memory_space<hbm>>
    tpu.wait_dma2 semaphore(%arg12 : memref<!tpu.dma_semaphore, #tpu.memory_space<semaphore_mem>>) src(%dma_wait3A_139 : memref<2x4096xi32, #tpu.memory_space<hbm>>) dst(%arg5 : memref<2x4096xi32, #tpu.memory_space<vmem>>)
    %dma_wait3A_140 = tpu.memref_slice %arg3[%mul3A_0] : memref<65536xf32, #tpu.memory_space<hbm>> -> memref<4096xf32, #tpu.memory_space<hbm>>
    %dma_wait3A_141 = tpu.memref_slice %arg3[%mul3A_0] : memref<65536xf32, #tpu.memory_space<hbm>> -> memref<4096xf32, #tpu.memory_space<hbm>>
    tpu.wait_dma2 semaphore(%arg13 : memref<!tpu.dma_semaphore, #tpu.memory_space<semaphore_mem>>) src(%dma_wait3A_141 : memref<4096xf32, #tpu.memory_space<hbm>>) dst(%arg6 : memref<4096xf32, #tpu.memory_space<vmem>>)
    %parallel_loop3A = arith.constant 0 : i32
    %parallel_loop3A_142 = arith.constant 256 : i32
    %parallel_loop3A_143 = arith.constant 1 : i32
    scf.for %parallel_loop3A_339 = %parallel_loop3A to %parallel_loop3A_142 step %parallel_loop3A_143  : i32 {
      %parallel_loop3A_340 = arith.constant 16 : i32
      %parallel_loop3A_341 = arith.muli %parallel_loop3A_339, %parallel_loop3A_340 : i32
      %parallel_loop3A_342 = arith.constant 0 : i32
      %parallel_loop3A_343 = arith.index_cast %parallel_loop3A_342 : i32 to index
      %parallel_loop3A_344 = arith.index_cast %parallel_loop3A_341 : i32 to index
      %parallel_loop3A_345 = tpu.vector_load %arg5[%parallel_loop3A_343, %parallel_loop3A_344] {strides = array<i32>} : memref<2x4096xi32, #tpu.memory_space<vmem>>, vector<16xi32>,
      %parallel_loop3A_346 = arith.constant 1 : i32
      %parallel_loop3A_347 = arith.index_cast %parallel_loop3A_346 : i32 to index
      %parallel_loop3A_348 = arith.index_cast %parallel_loop3A_341 : i32 to index
      %parallel_loop3A_349 = tpu.vector_load %arg5[%parallel_loop3A_347, %parallel_loop3A_348] {strides = array<i32>} : memref<2x4096xi32, #tpu.memory_space<vmem>>, vector<16xi32>,
      %parallel_loop3A_350 = arith.index_cast %parallel_loop3A_341 : i32 to index
      %parallel_loop3A_351 = tpu.vector_load %arg6[%parallel_loop3A_350] {strides = array<i32>} : memref<4096xf32, #tpu.memory_space<vmem>>, vector<16xf32>,
      %parallel_loop3A_352 = arith.constant 4 : i32
      %parallel_loop3A_353 = arith.constant 0 : i32
      %parallel_loop3A_354 = arith.cmpi eq, %parallel_loop3A_352, %parallel_loop3A_353 : i32
      %parallel_loop3A_355 = arith.constant 1 : i32
      %parallel_loop3A_356 = arith.select %parallel_loop3A_354, %parallel_loop3A_355, %parallel_loop3A_352 : i32
      %parallel_loop3A_357 = arith.remsi %parallel_loop3A_339, %parallel_loop3A_356 : i32
      %parallel_loop3A_358 = arith.constant 0 : i32
      %parallel_loop3A_359 = arith.cmpi ne, %parallel_loop3A_357, %parallel_loop3A_358 : i32
      %parallel_loop3A_360 = arith.constant 0 : i32
      %parallel_loop3A_361 = arith.cmpi slt, %parallel_loop3A_357, %parallel_loop3A_360 : i32
      %parallel_loop3A_362 = arith.constant 0 : i32
      %parallel_loop3A_363 = arith.cmpi slt, %parallel_loop3A_356, %parallel_loop3A_362 : i32
      %parallel_loop3A_364 = arith.xori %parallel_loop3A_361, %parallel_loop3A_363 : i1
      %parallel_loop3A_365 = arith.andi %parallel_loop3A_364, %parallel_loop3A_359 : i1
      %parallel_loop3A_366 = arith.addi %parallel_loop3A_357, %parallel_loop3A_356 : i32
      %parallel_loop3A_367 = arith.select %parallel_loop3A_365, %parallel_loop3A_366, %parallel_loop3A_357 : i32
      %parallel_loop3A_368 = arith.constant 256 : i32
      %parallel_loop3A_369 = arith.muli %parallel_loop3A_367, %parallel_loop3A_368 : i32
      %parallel_loop3A_370 = vector.broadcast %parallel_loop3A_369 : i32 to vector<16xi32>
      %parallel_loop3A_371 = arith.addi %parallel_loop3A_370, %mul3A_136 : vector<16xi32>
      %parallel_loop3A_372 = arith.constant 4 : i32
      %parallel_loop3A_373 = vector.broadcast %parallel_loop3A_372 : i32 to vector<16xi32>
      %parallel_loop3A_374 = arith.muli %parallel_loop3A_345, %parallel_loop3A_373 : vector<16xi32>
      %parallel_loop3A_375 = arith.addi %parallel_loop3A_371, %parallel_loop3A_374 : vector<16xi32>
      %parallel_loop3A_376 = arith.addi %parallel_loop3A_375, %parallel_loop3A_349 : vector<16xi32>
      tpu.vector_store_idx %arg7[%parallel_loop3A_376], %parallel_loop3A_351 {add = true} : memref<1024xf32, #tpu.memory_space<vmem>>[vector<16xi32>], vector<16xf32>,
    } {sc.loop_unroll_factor = 4 : i64, sc.parallel_access}
    %get3A = arith.constant 0 : index
    %get3A_144 = tpu.vector_load %arg7[%get3A] {strides = array<i32>} : memref<1024xf32, #tpu.memory_space<vmem>>, vector<16xf32>,
    %get3A_145 = arith.constant 16 : index
    %get3A_146 = tpu.vector_load %arg7[%get3A_145] {strides = array<i32>} : memref<1024xf32, #tpu.memory_space<vmem>>, vector<16xf32>,
    %add3A = arith.addf %get3A_144, %get3A_146 : vector<16xf32>
    %get3A_147 = arith.constant 32 : index
    %get3A_148 = tpu.vector_load %arg7[%get3A_147] {strides = array<i32>} : memref<1024xf32, #tpu.memory_space<vmem>>, vector<16xf32>,
    %add3A_149 = arith.addf %add3A, %get3A_148 : vector<16xf32>
    %get3A_150 = arith.constant 48 : index
    %get3A_151 = tpu.vector_load %arg7[%get3A_150] {strides = array<i32>} : memref<1024xf32, #tpu.memory_space<vmem>>, vector<16xf32>,
    %add3A_152 = arith.addf %add3A_149, %get3A_151 : vector<16xf32>
    %get3A_153 = arith.constant 64 : index
    %get3A_154 = tpu.vector_load %arg7[%get3A_153] {strides = array<i32>} : memref<1024xf32, #tpu.memory_space<vmem>>, vector<16xf32>,
    %add3A_155 = arith.addf %add3A_152, %get3A_154 : vector<16xf32>
    %get3A_156 = arith.constant 80 : index
    %get3A_157 = tpu.vector_load %arg7[%get3A_156] {strides = array<i32>} : memref<1024xf32, #tpu.memory_space<vmem>>, vector<16xf32>,
    %add3A_158 = arith.addf %add3A_155, %get3A_157 : vector<16xf32>
    %get3A_159 = arith.constant 96 : index
    %get3A_160 = tpu.vector_load %arg7[%get3A_159] {strides = array<i32>} : memref<1024xf32, #tpu.memory_space<vmem>>, vector<16xf32>,
    %add3A_161 = arith.addf %add3A_158, %get3A_160 : vector<16xf32>
    %get3A_162 = arith.constant 112 : index
    %get3A_163 = tpu.vector_load %arg7[%get3A_162] {strides = array<i32>} : memref<1024xf32, #tpu.memory_space<vmem>>, vector<16xf32>,
    %add3A_164 = arith.addf %add3A_161, %get3A_163 : vector<16xf32>
    %get3A_165 = arith.constant 128 : index
    %get3A_166 = tpu.vector_load %arg7[%get3A_165] {strides = array<i32>} : memref<1024xf32, #tpu.memory_space<vmem>>, vector<16xf32>,
    %add3A_167 = arith.addf %add3A_164, %get3A_166 : vector<16xf32>
    %get3A_168 = arith.constant 144 : index
    %get3A_169 = tpu.vector_load %arg7[%get3A_168] {strides = array<i32>} : memref<1024xf32, #tpu.memory_space<vmem>>, vector<16xf32>,
    %add3A_170 = arith.addf %add3A_167, %get3A_169 : vector<16xf32>
    %get3A_171 = arith.constant 160 : index
    %get3A_172 = tpu.vector_load %arg7[%get3A_171] {strides = array<i32>} : memref<1024xf32, #tpu.memory_space<vmem>>, vector<16xf32>,
    %add3A_173 = arith.addf %add3A_170, %get3A_172 : vector<16xf32>
    %get3A_174 = arith.constant 176 : index
    %get3A_175 = tpu.vector_load %arg7[%get3A_174] {strides = array<i32>} : memref<1024xf32, #tpu.memory_space<vmem>>, vector<16xf32>,
    %add3A_176 = arith.addf %add3A_173, %get3A_175 : vector<16xf32>
    %get3A_177 = arith.constant 192 : index
    %get3A_178 = tpu.vector_load %arg7[%get3A_177] {strides = array<i32>} : memref<1024xf32, #tpu.memory_space<vmem>>, vector<16xf32>,
    %add3A_179 = arith.addf %add3A_176, %get3A_178 : vector<16xf32>
    %get3A_180 = arith.constant 208 : index
    %get3A_181 = tpu.vector_load %arg7[%get3A_180] {strides = array<i32>} : memref<1024xf32, #tpu.memory_space<vmem>>, vector<16xf32>,
    %add3A_182 = arith.addf %add3A_179, %get3A_181 : vector<16xf32>
    %get3A_183 = arith.constant 224 : index
    %get3A_184 = tpu.vector_load %arg7[%get3A_183] {strides = array<i32>} : memref<1024xf32, #tpu.memory_space<vmem>>, vector<16xf32>,
    %add3A_185 = arith.addf %add3A_182, %get3A_184 : vector<16xf32>
    %get3A_186 = arith.constant 240 : index
    %get3A_187 = tpu.vector_load %arg7[%get3A_186] {strides = array<i32>} : memref<1024xf32, #tpu.memory_space<vmem>>, vector<16xf32>,
    %add3A_188 = arith.addf %add3A_185, %get3A_187 : vector<16xf32>
    %get3A_189 = arith.constant 256 : index
    %get3A_190 = tpu.vector_load %arg7[%get3A_189] {strides = array<i32>} : memref<1024xf32, #tpu.memory_space<vmem>>, vector<16xf32>,
    %add3A_191 = arith.addf %add3A_188, %get3A_190 : vector<16xf32>
    %get3A_192 = arith.constant 272 : index
    %get3A_193 = tpu.vector_load %arg7[%get3A_192] {strides = array<i32>} : memref<1024xf32, #tpu.memory_space<vmem>>, vector<16xf32>,
    %add3A_194 = arith.addf %add3A_191, %get3A_193 : vector<16xf32>
    %get3A_195 = arith.constant 288 : index
    %get3A_196 = tpu.vector_load %arg7[%get3A_195] {strides = array<i32>} : memref<1024xf32, #tpu.memory_space<vmem>>, vector<16xf32>,
    %add3A_197 = arith.addf %add3A_194, %get3A_196 : vector<16xf32>
    %get3A_198 = arith.constant 304 : index
    %get3A_199 = tpu.vector_load %arg7[%get3A_198] {strides = array<i32>} : memref<1024xf32, #tpu.memory_space<vmem>>, vector<16xf32>,
    %add3A_200 = arith.addf %add3A_197, %get3A_199 : vector<16xf32>
    %get3A_201 = arith.constant 320 : index
    %get3A_202 = tpu.vector_load %arg7[%get3A_201] {strides = array<i32>} : memref<1024xf32, #tpu.memory_space<vmem>>, vector<16xf32>,
    %add3A_203 = arith.addf %add3A_200, %get3A_202 : vector<16xf32>
    %get3A_204 = arith.constant 336 : index
    %get3A_205 = tpu.vector_load %arg7[%get3A_204] {strides = array<i32>} : memref<1024xf32, #tpu.memory_space<vmem>>, vector<16xf32>,
    %add3A_206 = arith.addf %add3A_203, %get3A_205 : vector<16xf32>
    %get3A_207 = arith.constant 352 : index
    %get3A_208 = tpu.vector_load %arg7[%get3A_207] {strides = array<i32>} : memref<1024xf32, #tpu.memory_space<vmem>>, vector<16xf32>,
    %add3A_209 = arith.addf %add3A_206, %get3A_208 : vector<16xf32>
    %get3A_210 = arith.constant 368 : index
    %get3A_211 = tpu.vector_load %arg7[%get3A_210] {strides = array<i32>} : memref<1024xf32, #tpu.memory_space<vmem>>, vector<16xf32>,
    %add3A_212 = arith.addf %add3A_209, %get3A_211 : vector<16xf32>
    %get3A_213 = arith.constant 384 : index
    %get3A_214 = tpu.vector_load %arg7[%get3A_213] {strides = array<i32>} : memref<1024xf32, #tpu.memory_space<vmem>>, vector<16xf32>,
    %add3A_215 = arith.addf %add3A_212, %get3A_214 : vector<16xf32>
    %get3A_216 = arith.constant 400 : index
    %get3A_217 = tpu.vector_load %arg7[%get3A_216] {strides = array<i32>} : memref<1024xf32, #tpu.memory_space<vmem>>, vector<16xf32>,
    %add3A_218 = arith.addf %add3A_215, %get3A_217 : vector<16xf32>
    %get3A_219 = arith.constant 416 : index
    %get3A_220 = tpu.vector_load %arg7[%get3A_219] {strides = array<i32>} : memref<1024xf32, #tpu.memory_space<vmem>>, vector<16xf32>,
    %add3A_221 = arith.addf %add3A_218, %get3A_220 : vector<16xf32>
    %get3A_222 = arith.constant 432 : index
    %get3A_223 = tpu.vector_load %arg7[%get3A_222] {strides = array<i32>} : memref<1024xf32, #tpu.memory_space<vmem>>, vector<16xf32>,
    %add3A_224 = arith.addf %add3A_221, %get3A_223 : vector<16xf32>
    %get3A_225 = arith.constant 448 : index
    %get3A_226 = tpu.vector_load %arg7[%get3A_225] {strides = array<i32>} : memref<1024xf32, #tpu.memory_space<vmem>>, vector<16xf32>,
    %add3A_227 = arith.addf %add3A_224, %get3A_226 : vector<16xf32>
    %get3A_228 = arith.constant 464 : index
    %get3A_229 = tpu.vector_load %arg7[%get3A_228] {strides = array<i32>} : memref<1024xf32, #tpu.memory_space<vmem>>, vector<16xf32>,
    %add3A_230 = arith.addf %add3A_227, %get3A_229 : vector<16xf32>
    %get3A_231 = arith.constant 480 : index
    %get3A_232 = tpu.vector_load %arg7[%get3A_231] {strides = array<i32>} : memref<1024xf32, #tpu.memory_space<vmem>>, vector<16xf32>,
    %add3A_233 = arith.addf %add3A_230, %get3A_232 : vector<16xf32>
    %get3A_234 = arith.constant 496 : index
    %get3A_235 = tpu.vector_load %arg7[%get3A_234] {strides = array<i32>} : memref<1024xf32, #tpu.memory_space<vmem>>, vector<16xf32>,
    %add3A_236 = arith.addf %add3A_233, %get3A_235 : vector<16xf32>
    %get3A_237 = arith.constant 512 : index
    %get3A_238 = tpu.vector_load %arg7[%get3A_237] {strides = array<i32>} : memref<1024xf32, #tpu.memory_space<vmem>>, vector<16xf32>,
    %add3A_239 = arith.addf %add3A_236, %get3A_238 : vector<16xf32>
    %get3A_240 = arith.constant 528 : index
    %get3A_241 = tpu.vector_load %arg7[%get3A_240] {strides = array<i32>} : memref<1024xf32, #tpu.memory_space<vmem>>, vector<16xf32>,
    %add3A_242 = arith.addf %add3A_239, %get3A_241 : vector<16xf32>
    %get3A_243 = arith.constant 544 : index
    %get3A_244 = tpu.vector_load %arg7[%get3A_243] {strides = array<i32>} : memref<1024xf32, #tpu.memory_space<vmem>>, vector<16xf32>,
    %add3A_245 = arith.addf %add3A_242, %get3A_244 : vector<16xf32>
    %get3A_246 = arith.constant 560 : index
    %get3A_247 = tpu.vector_load %arg7[%get3A_246] {strides = array<i32>} : memref<1024xf32, #tpu.memory_space<vmem>>, vector<16xf32>,
    %add3A_248 = arith.addf %add3A_245, %get3A_247 : vector<16xf32>
    %get3A_249 = arith.constant 576 : index
    %get3A_250 = tpu.vector_load %arg7[%get3A_249] {strides = array<i32>} : memref<1024xf32, #tpu.memory_space<vmem>>, vector<16xf32>,
    %add3A_251 = arith.addf %add3A_248, %get3A_250 : vector<16xf32>
    %get3A_252 = arith.constant 592 : index
    %get3A_253 = tpu.vector_load %arg7[%get3A_252] {strides = array<i32>} : memref<1024xf32, #tpu.memory_space<vmem>>, vector<16xf32>,
    %add3A_254 = arith.addf %add3A_251, %get3A_253 : vector<16xf32>
    %get3A_255 = arith.constant 608 : index
    %get3A_256 = tpu.vector_load %arg7[%get3A_255] {strides = array<i32>} : memref<1024xf32, #tpu.memory_space<vmem>>, vector<16xf32>,
    %add3A_257 = arith.addf %add3A_254, %get3A_256 : vector<16xf32>
    %get3A_258 = arith.constant 624 : index
    %get3A_259 = tpu.vector_load %arg7[%get3A_258] {strides = array<i32>} : memref<1024xf32, #tpu.memory_space<vmem>>, vector<16xf32>,
    %add3A_260 = arith.addf %add3A_257, %get3A_259 : vector<16xf32>
    %get3A_261 = arith.constant 640 : index
    %get3A_262 = tpu.vector_load %arg7[%get3A_261] {strides = array<i32>} : memref<1024xf32, #tpu.memory_space<vmem>>, vector<16xf32>,
    %add3A_263 = arith.addf %add3A_260, %get3A_262 : vector<16xf32>
    %get3A_264 = arith.constant 656 : index
    %get3A_265 = tpu.vector_load %arg7[%get3A_264] {strides = array<i32>} : memref<1024xf32, #tpu.memory_space<vmem>>, vector<16xf32>,
    %add3A_266 = arith.addf %add3A_263, %get3A_265 : vector<16xf32>
    %get3A_267 = arith.constant 672 : index
    %get3A_268 = tpu.vector_load %arg7[%get3A_267] {strides = array<i32>} : memref<1024xf32, #tpu.memory_space<vmem>>, vector<16xf32>,
    %add3A_269 = arith.addf %add3A_266, %get3A_268 : vector<16xf32>
    %get3A_270 = arith.constant 688 : index
    %get3A_271 = tpu.vector_load %arg7[%get3A_270] {strides = array<i32>} : memref<1024xf32, #tpu.memory_space<vmem>>, vector<16xf32>,
    %add3A_272 = arith.addf %add3A_269, %get3A_271 : vector<16xf32>
    %get3A_273 = arith.constant 704 : index
    %get3A_274 = tpu.vector_load %arg7[%get3A_273] {strides = array<i32>} : memref<1024xf32, #tpu.memory_space<vmem>>, vector<16xf32>,
    %add3A_275 = arith.addf %add3A_272, %get3A_274 : vector<16xf32>
    %get3A_276 = arith.constant 720 : index
    %get3A_277 = tpu.vector_load %arg7[%get3A_276] {strides = array<i32>} : memref<1024xf32, #tpu.memory_space<vmem>>, vector<16xf32>,
    %add3A_278 = arith.addf %add3A_275, %get3A_277 : vector<16xf32>
    %get3A_279 = arith.constant 736 : index
    %get3A_280 = tpu.vector_load %arg7[%get3A_279] {strides = array<i32>} : memref<1024xf32, #tpu.memory_space<vmem>>, vector<16xf32>,
    %add3A_281 = arith.addf %add3A_278, %get3A_280 : vector<16xf32>
    %get3A_282 = arith.constant 752 : index
    %get3A_283 = tpu.vector_load %arg7[%get3A_282] {strides = array<i32>} : memref<1024xf32, #tpu.memory_space<vmem>>, vector<16xf32>,
    %add3A_284 = arith.addf %add3A_281, %get3A_283 : vector<16xf32>
    %get3A_285 = arith.constant 768 : index
    %get3A_286 = tpu.vector_load %arg7[%get3A_285] {strides = array<i32>} : memref<1024xf32, #tpu.memory_space<vmem>>, vector<16xf32>,
    %add3A_287 = arith.addf %add3A_284, %get3A_286 : vector<16xf32>
    %get3A_288 = arith.constant 784 : index
    %get3A_289 = tpu.vector_load %arg7[%get3A_288] {strides = array<i32>} : memref<1024xf32, #tpu.memory_space<vmem>>, vector<16xf32>,
    %add3A_290 = arith.addf %add3A_287, %get3A_289 : vector<16xf32>
    %get3A_291 = arith.constant 800 : index
    %get3A_292 = tpu.vector_load %arg7[%get3A_291] {strides = array<i32>} : memref<1024xf32, #tpu.memory_space<vmem>>, vector<16xf32>,
    %add3A_293 = arith.addf %add3A_290, %get3A_292 : vector<16xf32>
    %get3A_294 = arith.constant 816 : index
    %get3A_295 = tpu.vector_load %arg7[%get3A_294] {strides = array<i32>} : memref<1024xf32, #tpu.memory_space<vmem>>, vector<16xf32>,
    %add3A_296 = arith.addf %add3A_293, %get3A_295 : vector<16xf32>
    %get3A_297 = arith.constant 832 : index
    %get3A_298 = tpu.vector_load %arg7[%get3A_297] {strides = array<i32>} : memref<1024xf32, #tpu.memory_space<vmem>>, vector<16xf32>,
    %add3A_299 = arith.addf %add3A_296, %get3A_298 : vector<16xf32>
    %get3A_300 = arith.constant 848 : index
    %get3A_301 = tpu.vector_load %arg7[%get3A_300] {strides = array<i32>} : memref<1024xf32, #tpu.memory_space<vmem>>, vector<16xf32>,
    %add3A_302 = arith.addf %add3A_299, %get3A_301 : vector<16xf32>
    %get3A_303 = arith.constant 864 : index
    %get3A_304 = tpu.vector_load %arg7[%get3A_303] {strides = array<i32>} : memref<1024xf32, #tpu.memory_space<vmem>>, vector<16xf32>,
    %add3A_305 = arith.addf %add3A_302, %get3A_304 : vector<16xf32>
    %get3A_306 = arith.constant 880 : index
    %get3A_307 = tpu.vector_load %arg7[%get3A_306] {strides = array<i32>} : memref<1024xf32, #tpu.memory_space<vmem>>, vector<16xf32>,
    %add3A_308 = arith.addf %add3A_305, %get3A_307 : vector<16xf32>
    %get3A_309 = arith.constant 896 : index
    %get3A_310 = tpu.vector_load %arg7[%get3A_309] {strides = array<i32>} : memref<1024xf32, #tpu.memory_space<vmem>>, vector<16xf32>,
    %add3A_311 = arith.addf %add3A_308, %get3A_310 : vector<16xf32>
    %get3A_312 = arith.constant 912 : index
    %get3A_313 = tpu.vector_load %arg7[%get3A_312] {strides = array<i32>} : memref<1024xf32, #tpu.memory_space<vmem>>, vector<16xf32>,
    %add3A_314 = arith.addf %add3A_311, %get3A_313 : vector<16xf32>
    %get3A_315 = arith.constant 928 : index
    %get3A_316 = tpu.vector_load %arg7[%get3A_315] {strides = array<i32>} : memref<1024xf32, #tpu.memory_space<vmem>>, vector<16xf32>,
    %add3A_317 = arith.addf %add3A_314, %get3A_316 : vector<16xf32>
    %get3A_318 = arith.constant 944 : index
    %get3A_319 = tpu.vector_load %arg7[%get3A_318] {strides = array<i32>} : memref<1024xf32, #tpu.memory_space<vmem>>, vector<16xf32>,
    %add3A_320 = arith.addf %add3A_317, %get3A_319 : vector<16xf32>
    %get3A_321 = arith.constant 960 : index
    %get3A_322 = tpu.vector_load %arg7[%get3A_321] {strides = array<i32>} : memref<1024xf32, #tpu.memory_space<vmem>>, vector<16xf32>,
    %add3A_323 = arith.addf %add3A_320, %get3A_322 : vector<16xf32>
    %get3A_324 = arith.constant 976 : index
    %get3A_325 = tpu.vector_load %arg7[%get3A_324] {strides = array<i32>} : memref<1024xf32, #tpu.memory_space<vmem>>, vector<16xf32>,
    %add3A_326 = arith.addf %add3A_323, %get3A_325 : vector<16xf32>
    %get3A_327 = arith.constant 992 : index
    %get3A_328 = tpu.vector_load %arg7[%get3A_327] {strides = array<i32>} : memref<1024xf32, #tpu.memory_space<vmem>>, vector<16xf32>,
    %add3A_329 = arith.addf %add3A_326, %get3A_328 : vector<16xf32>
    %get3A_330 = arith.constant 1008 : index
    %get3A_331 = tpu.vector_load %arg7[%get3A_330] {strides = array<i32>} : memref<1024xf32, #tpu.memory_space<vmem>>, vector<16xf32>,
    %add3A_332 = arith.addf %add3A_329, %get3A_331 : vector<16xf32>
    %swap3A_333 = arith.constant 0 : index
    %swap3A_334 = tpu.vector_load %arg8[%swap3A_333] {strides = array<i32>} : memref<16xf32, #tpu.memory_space<vmem>>, vector<16xf32>,
    tpu.vector_store %arg8[%swap3A_333], %add3A_332 {strides = array<i32>} : memref<16xf32, #tpu.memory_space<vmem>>, vector<16xf32>,
    %mul3A_335 = arith.constant 16 : i32
    %mul3A_336 = arith.muli %arg1, %mul3A_335 : i32
    "tpu.region"() ({
      %run_scoped3A = tpu.sem_alloc : memref<!tpu.dma_semaphore, #tpu.memory_space<semaphore_mem>>
      %dma_start3A_339 = tpu.memref_slice %arg11[%mul3A_336] : memref<256xf32, #tpu.memory_space<vmem_shared>> -> memref<16xf32, #tpu.memory_space<vmem_shared>>
      %dma_start3A_340 = tpu.memref_slice %arg11[%mul3A_336] : memref<256xf32, #tpu.memory_space<vmem_shared>> -> memref<16xf32, #tpu.memory_space<vmem_shared>>
      tpu.enqueue_dma source(%arg8 : memref<16xf32, #tpu.memory_space<vmem>>) target(%dma_start3A_340 : memref<16xf32, #tpu.memory_space<vmem_shared>>) target_semaphore(%run_scoped3A : memref<!tpu.dma_semaphore, #tpu.memory_space<semaphore_mem>>)
      %dma_wait3A_341 = tpu.memref_slice %arg11[%mul3A_336] : memref<256xf32, #tpu.memory_space<vmem_shared>> -> memref<16xf32, #tpu.memory_space<vmem_shared>>
      %dma_wait3A_342 = tpu.memref_slice %arg11[%mul3A_336] : memref<256xf32, #tpu.memory_space<vmem_shared>> -> memref<16xf32, #tpu.memory_space<vmem_shared>>
      tpu.wait_dma2 semaphore(%run_scoped3A : memref<!tpu.dma_semaphore, #tpu.memory_space<semaphore_mem>>) src(%arg8 : memref<16xf32, #tpu.memory_space<vmem>>) dst(%dma_wait3A_342 : memref<16xf32, #tpu.memory_space<vmem_shared>>)
      tpu.yield
    }) : () -> ()
    %barrier3A = arith.constant 0 : index
    tpu.barrier barrier_id(%barrier3A)
    %eq3A = arith.constant 0 : i32
    %eq3A_337 = arith.cmpi eq, %arg1, %eq3A : i32
    %convert_element_type3A = arith.extui %eq3A_337 : i1 to i32
    %cond3A = arith.constant 0 : i32
    %cond3A_338 = arith.cmpi ne, %convert_element_type3A, %cond3A : i32
    scf.if %cond3A_338 {
      "tpu.region"() ({
        %run_scoped3A = tpu.sem_alloc : memref<!tpu.dma_semaphore, #tpu.memory_space<semaphore_mem>>
        tpu.enqueue_dma source(%arg11 : memref<256xf32, #tpu.memory_space<vmem_shared>>) target(%arg9 : memref<256xf32, #tpu.memory_space<vmem>>) target_semaphore(%run_scoped3A : memref<!tpu.dma_semaphore, #tpu.memory_space<semaphore_mem>>)
        tpu.wait_dma2 semaphore(%run_scoped3A : memref<!tpu.dma_semaphore, #tpu.memory_space<semaphore_mem>>) src(%arg11 : memref<256xf32, #tpu.memory_space<vmem_shared>>) dst(%arg9 : memref<256xf32, #tpu.memory_space<vmem>>)
        tpu.yield
      }) : () -> ()
      %get3A_339 = arith.constant 0 : index
      %get3A_340 = tpu.vector_load %arg9[%get3A_339] {strides = array<i32>} : memref<256xf32, #tpu.memory_space<vmem>>, vector<16xf32>,
      %get3A_341 = arith.constant 16 : index
      %get3A_342 = tpu.vector_load %arg9[%get3A_341] {strides = array<i32>} : memref<256xf32, #tpu.memory_space<vmem>>, vector<16xf32>,
      %add3A_343 = arith.addf %get3A_340, %get3A_342 : vector<16xf32>
      %get3A_344 = arith.constant 32 : index
      %get3A_345 = tpu.vector_load %arg9[%get3A_344] {strides = array<i32>} : memref<256xf32, #tpu.memory_space<vmem>>, vector<16xf32>,
      %add3A_346 = arith.addf %add3A_343, %get3A_345 : vector<16xf32>
      %get3A_347 = arith.constant 48 : index
      %get3A_348 = tpu.vector_load %arg9[%get3A_347] {strides = array<i32>} : memref<256xf32, #tpu.memory_space<vmem>>, vector<16xf32>,
      %add3A_349 = arith.addf %add3A_346, %get3A_348 : vector<16xf32>
      %get3A_350 = arith.constant 64 : index
      %get3A_351 = tpu.vector_load %arg9[%get3A_350] {strides = array<i32>} : memref<256xf32, #tpu.memory_space<vmem>>, vector<16xf32>,
      %add3A_352 = arith.addf %add3A_349, %get3A_351 : vector<16xf32>
      %get3A_353 = arith.constant 80 : index
      %get3A_354 = tpu.vector_load %arg9[%get3A_353] {strides = array<i32>} : memref<256xf32, #tpu.memory_space<vmem>>, vector<16xf32>,
      %add3A_355 = arith.addf %add3A_352, %get3A_354 : vector<16xf32>
      %get3A_356 = arith.constant 96 : index
      %get3A_357 = tpu.vector_load %arg9[%get3A_356] {strides = array<i32>} : memref<256xf32, #tpu.memory_space<vmem>>, vector<16xf32>,
      %add3A_358 = arith.addf %add3A_355, %get3A_357 : vector<16xf32>
      %get3A_359 = arith.constant 112 : index
      %get3A_360 = tpu.vector_load %arg9[%get3A_359] {strides = array<i32>} : memref<256xf32, #tpu.memory_space<vmem>>, vector<16xf32>,
      %add3A_361 = arith.addf %add3A_358, %get3A_360 : vector<16xf32>
      %get3A_362 = arith.constant 128 : index
      %get3A_363 = tpu.vector_load %arg9[%get3A_362] {strides = array<i32>} : memref<256xf32, #tpu.memory_space<vmem>>, vector<16xf32>,
      %add3A_364 = arith.addf %add3A_361, %get3A_363 : vector<16xf32>
      %get3A_365 = arith.constant 144 : index
      %get3A_366 = tpu.vector_load %arg9[%get3A_365] {strides = array<i32>} : memref<256xf32, #tpu.memory_space<vmem>>, vector<16xf32>,
      %add3A_367 = arith.addf %add3A_364, %get3A_366 : vector<16xf32>
      %get3A_368 = arith.constant 160 : index
      %get3A_369 = tpu.vector_load %arg9[%get3A_368] {strides = array<i32>} : memref<256xf32, #tpu.memory_space<vmem>>, vector<16xf32>,
      %add3A_370 = arith.addf %add3A_367, %get3A_369 : vector<16xf32>
      %get3A_371 = arith.constant 176 : index
      %get3A_372 = tpu.vector_load %arg9[%get3A_371] {strides = array<i32>} : memref<256xf32, #tpu.memory_space<vmem>>, vector<16xf32>,
      %add3A_373 = arith.addf %add3A_370, %get3A_372 : vector<16xf32>
      %get3A_374 = arith.constant 192 : index
      %get3A_375 = tpu.vector_load %arg9[%get3A_374] {strides = array<i32>} : memref<256xf32, #tpu.memory_space<vmem>>, vector<16xf32>,
      %add3A_376 = arith.addf %add3A_373, %get3A_375 : vector<16xf32>
      %get3A_377 = arith.constant 208 : index
      %get3A_378 = tpu.vector_load %arg9[%get3A_377] {strides = array<i32>} : memref<256xf32, #tpu.memory_space<vmem>>, vector<16xf32>,
      %add3A_379 = arith.addf %add3A_376, %get3A_378 : vector<16xf32>
      %get3A_380 = arith.constant 224 : index
      %get3A_381 = tpu.vector_load %arg9[%get3A_380] {strides = array<i32>} : memref<256xf32, #tpu.memory_space<vmem>>, vector<16xf32>,
      %add3A_382 = arith.addf %add3A_379, %get3A_381 : vector<16xf32>
      %get3A_383 = arith.constant 240 : index
      %get3A_384 = tpu.vector_load %arg9[%get3A_383] {strides = array<i32>} : memref<256xf32, #tpu.memory_space<vmem>>, vector<16xf32>,
      %add3A_385 = arith.addf %add3A_382, %get3A_384 : vector<16xf32>
      %iota3A_386 = tpu.iota {dimensions = array<i32: 0>} : vector<16xi32>
      %jit3A = arith.constant 4 : i32
      %div3A = vector.broadcast %jit3A : i32 to vector<16xi32>
      %div3A_387 = arith.divsi %iota3A_386, %div3A : vector<16xi32>
      %sign3A = arith.constant 0 : i32
      %sign3A_388 = vector.broadcast %sign3A : i32 to vector<16xi32>
      %sign3A_389 = arith.cmpi sgt, %iota3A_386, %sign3A_388 : vector<16xi32>
      %sign3A_390 = arith.extui %sign3A_389 : vector<16xi1> to vector<16xi32>
      %sign3A_391 = arith.constant 0 : i32
      %sign3A_392 = vector.broadcast %sign3A_391 : i32 to vector<16xi32>
      %sign3A_393 = arith.cmpi slt, %iota3A_386, %sign3A_392 : vector<16xi32>
      %sign3A_394 = arith.extui %sign3A_393 : vector<16xi1> to vector<16xi32>
      %sign3A_395 = arith.subi %sign3A_390, %sign3A_394 : vector<16xi32>
      %sign3A_396 = arith.constant 0 : i32
      %sign3A_397 = arith.cmpi sgt, %jit3A, %sign3A_396 : i32
      %sign3A_398 = arith.extui %sign3A_397 : i1 to i32
      %sign3A_399 = arith.constant 0 : i32
      %sign3A_400 = arith.cmpi slt, %jit3A, %sign3A_399 : i32
      %sign3A_401 = arith.extui %sign3A_400 : i1 to i32
      %sign3A_402 = arith.subi %sign3A_398, %sign3A_401 : i32
      %ne3A = vector.broadcast %sign3A_402 : i32 to vector<16xi32>
      %ne3A_403 = arith.cmpi ne, %sign3A_395, %ne3A : vector<16xi32>
      %rem3A = vector.broadcast %jit3A : i32 to vector<16xi32>
      %rem3A_404 = arith.remsi %iota3A_386, %rem3A : vector<16xi32>
      %ne3A_405 = arith.constant 0 : i32
      %ne3A_406 = vector.broadcast %ne3A_405 : i32 to vector<16xi32>
      %ne3A_407 = arith.cmpi ne, %rem3A_404, %ne3A_406 : vector<16xi32>
      %and3A = arith.andi %ne3A_403, %ne3A_407 : vector<16xi1>
      %sub3A = arith.constant 1 : i32
      %sub3A_408 = vector.broadcast %sub3A : i32 to vector<16xi32>
      %sub3A_409 = arith.subi %div3A_387, %sub3A_408 : vector<16xi32>
      %select_n3A = arith.select %and3A, %sub3A_409, %div3A_387 : vector<16xi1>, vector<16xi32>
      %jit3A_410 = arith.constant 4 : i32
      %eq3A_411 = arith.constant 0 : i32
      %eq3A_412 = arith.cmpi eq, %jit3A_410, %eq3A_411 : i32
      %jit3A_413 = arith.constant 1 : i32
      %select_n3A_414 = arith.select %eq3A_412, %jit3A_413, %jit3A_410 : i32
      %rem3A_415 = vector.broadcast %select_n3A_414 : i32 to vector<16xi32>
      %rem3A_416 = arith.remsi %iota3A_386, %rem3A_415 : vector<16xi32>
      %ne3A_417 = arith.constant 0 : i32
      %ne3A_418 = vector.broadcast %ne3A_417 : i32 to vector<16xi32>
      %ne3A_419 = arith.cmpi ne, %rem3A_416, %ne3A_418 : vector<16xi32>
      %lt3A = arith.constant 0 : i32
      %lt3A_420 = vector.broadcast %lt3A : i32 to vector<16xi32>
      %lt3A_421 = arith.cmpi slt, %rem3A_416, %lt3A_420 : vector<16xi32>
      %lt3A_422 = arith.constant 0 : i32
      %lt3A_423 = arith.cmpi slt, %select_n3A_414, %lt3A_422 : i32
      %ne3A_424 = vector.broadcast %lt3A_423 : i1 to vector<16xi1>
      %ne3A_425 = vector.broadcast %ne3A_424 : vector<16xi1> to vector<16xi1>
      %ne3A_426 = arith.xori %lt3A_421, %ne3A_425 : vector<16xi1>
      %and3A_427 = arith.andi %ne3A_426, %ne3A_419 : vector<16xi1>
      %add3A_428 = vector.broadcast %select_n3A_414 : i32 to vector<16xi32>
      %add3A_429 = arith.addi %rem3A_416, %add3A_428 : vector<16xi32>
      %select_n3A_430 = arith.select %and3A_427, %add3A_429, %rem3A_416 : vector<16xi1>, vector<16xi32>
      tpu.vector_store_idx %arg10[%select_n3A, %select_n3A_430], %add3A_385 : memref<4x4xf32, #tpu.memory_space<vmem>>[vector<16xi32>, vector<16xi32>], vector<16xf32>,
      "tpu.region"() ({
        %run_scoped3A = tpu.sem_alloc : memref<!tpu.dma_semaphore, #tpu.memory_space<semaphore_mem>>
        tpu.enqueue_dma source(%arg10 : memref<4x4xf32, #tpu.memory_space<vmem>>) target(%arg4 : memref<4x4xf32, #tpu.memory_space<hbm>>) target_semaphore(%run_scoped3A : memref<!tpu.dma_semaphore, #tpu.memory_space<semaphore_mem>>)
        tpu.wait_dma2 semaphore(%run_scoped3A : memref<!tpu.dma_semaphore, #tpu.memory_space<semaphore_mem>>) src(%arg10 : memref<4x4xf32, #tpu.memory_space<vmem>>) dst(%arg4 : memref<4x4xf32, #tpu.memory_space<hbm>>)
        tpu.yield
      }) : () -> ()
    } else {
    }
    return
  }
}

</mosaic_0001>

<sc_bundles>
// kernel: kernel.3.cloned.1.call-start
scs
__scs_entry_jumppad:
0x0: {  	(pc) =	sbr.rel $0x88, $3  }
0x1: {  	(tag) =	ssettag $0x0;
	lr =	simm.s32 $0x1  }
0x2: {  	[smem:$0x3F9F] =	sst lr;
	_ =	strace $0xD0000000  }
0x3: {  	_ = 	snop  }
0x4: {  	_ = 	snop  }
0x5: {  	_ = 	snop  }
0x6: {  	_ = 	snop  }
0x7: {  	_ = 	snop  }
__scs_overlays_trampoline_lowered:
0x8: {  	[smem:$0x3FAE] =	sst s0  }
0x9: {  	[smem:$0x3FAF] =	sst s1  }
0xa: {  	[smem:$0x3FB0] =	sst s2  }
0xb: {  	[smem:$0x3FB1] =	sst s3  }
0xc: {  	[smem:$0x3FB2] =	sst s4  }
0xd: {  	[smem:$0x3FB3] =	sst s5  }
0xe: {  	[smem:$0x3FB4] =	sst s6  }
0xf: {  	[smem:$0x3FB5] =	sst s7  }
0x10: {  	[smem:$0x3FB6] =	sst s8  }
0x11: {  	[smem:$0x3FB7] =	sst s9;
	s0 =	simm.s32 @!p0 $0x0  }
0x12: {  	s1 =	sld [smem:$0x3F9D];
	s0 =	simm.s32 @p0 $0x1  }
0x13: {  	[smem:$0x3FB8] =	sst s0;
	s0 =	simm.s32 @!p1 $0x0  }
0x14: {  	s2 =	sld [smem:$0x3F9C];
	s0 =	simm.s32 @p1 $0x1  }
0x15: {  	[smem:$0x3FB9] =	sst s0;
	s0 =	simm.s32 @!p2 $0x0  }
0x16: {  	s3 =	sld [smem:$0x3FDB];
	s0 =	simm.s32 @p2 $0x1  }
0x17: {  	s4 =	simm.s32 $0x1BF5;
	[smem:$0x3FBB] =	sst s0  }
0x18: {  	s0 =	sld [smem:$0x3F9E];
	_ =	swait.ge [sflag:s4], $0x0  }
0x19: {  	s7 =	sld [smem:$0x3F9F]  }
0x1a: {  	s8 =	sadd.s32 $0xFFFFE003, lr  }
0x1b: {  	s9 =	sadd.s32 $0xFFFFFEF7, lr;
	s5 =	simm.s32 $0xFFFFFFFF;
	p2 =	slt.u32 s8, $0xFFFFF086  }
0x1c: {  	p1 =	slt.u32 s9, $0xF7A;
	s5 =	simm.s32 @!p2 $0x0  }
0x1d: {  	s5 =	simm.s32 @p1 $0x1;
	p0 =	seq.s32 s7, s2  }
0x1e: {  	s7 =	smul.u32 @!p0 $0xF7A, s2;
	p2 =	seq.s32 @!p0 s5, $0x0  }
0x1f: {  	s9 =	smul.u32 $0xF7A, s1;
	s8 =	simm.s32 @!p0 $0x1BF5;
	p2 =	por !p2, p0  }
0x20: {  	[sflag:s8] =	ssyncset.s32 @!p0 $0xFFFFF086;
	s6 =	sadd.s32 @!p0 s3, s7;
	s7 =	simm.s32 @!p0 $0x108  }
0x21: {  	s3 =	sadd.s32 s3, s9;
	s6 =	sadd.s32 @!p0 $0x88, s6;
	s7 =	simm.s32 @p2 $0x1082  }
0x22: {  	[simem:s7], [sflag:s8] =	dma.local @!p0 [hbm:s6], $0xF7A  }
0x23: {  	s9 =	sor.u32 $0xD0000000, s2;
	s6 =	simm.s32 $0x108;
	_ =	swait.ge @!p0 [sflag:s8], $0x0  }
0x24: {  	s3 =	sadd.s32 $0x88, s3;
	s6 =	simm.s32 @!p1 $0x1082;
	[sflag:s4] =	ssyncset.s32 $0xFFFFF086  }
0x25: {  	[simem:s6], [sflag:s4] =	dma.local [hbm:s3], $0xF7A  }
0x26: {  	[smem:$0x3F9F] =	sst s1;
	(tag) =	ssettag s2;
	_ =	strace s9  }
0x27: {  	s1 =	sld [smem:$0x3FAF]  }
0x28: {  	s2 =	sld [smem:$0x3FB0]  }
0x29: {  	s4 =	sld [smem:$0x3FB2]  }
0x2a: {  	p0 =	seq.s32 s5, $0x0;
	s5 =	sld [smem:$0x3FB3]  }
0x2b: {  	s6 =	sld [smem:$0x3FB4]  }
0x2c: {  	s7 =	sld [smem:$0x3FB5]  }
0x2d: {  	s3 =	simm.s32 $0x108;
	s8 =	sld [smem:$0x3FB6]  }
0x2e: {  	s3 =	simm.s32 @!p0 $0x1082;
	s9 =	sld [smem:$0x3FB7]  }
0x2f: {  	lr =	sadd.s32 s0, s3;
	s0 =	sld [smem:$0x3FAE]  }
0x30: {  	s3 =	sld [smem:$0x3FB1]  }
0x31: {  	[smem:$0x3FBA] =	sst s10  }
0x32: {  	s10 =	sld [smem:$0x3FB8];
	_ =	sdelay $0x3  }
0x33: {  	p0 =	seq.s32 s10, $0x1;
	s10 =	sld [smem:$0x3FBA];
	_ =	sdelay $0x3  }
0x34: {  	[smem:$0x3FBA] =	sst s10  }
0x35: {  	s10 =	sld [smem:$0x3FB9];
	_ =	sdelay $0x3  }
0x36: {  	p1 =	seq.s32 s10, $0x1;
	s10 =	sld [smem:$0x3FBA];
	_ =	sdelay $0x3  }
0x37: {  	[smem:$0x3FBA] =	sst s10  }
0x38: {  	s10 =	sld [smem:$0x3FBB]  }
0x39: {  	_ = 	snop;
	(pc) =	sbr.ind lr, $3  }
0x3a: {  	_ = 	snop  }
0x3b: {  	_ = 	snop  }
0x3c: {  	p2 =	seq.s32 s10, $0x1;
	s10 =	sld [smem:$0x3FBA]  }
0x3d: {  	_ =	shalt  }
0x3e: {  	_ =	shalt  }
0x3f: {  	_ =	shalt  }
0x40: {  	_ =	shalt  }
0x41: {  	_ =	shalt  }
0x42: {  	_ =	shalt  }
0x43: {  	_ =	shalt  }
0x44: {  	_ =	shalt  }
0x45: {  	_ =	shalt  }
0x46: {  	_ =	shalt  }
0x47: {  	_ =	shalt  }
0x48: {  	_ =	shalt  }
0x49: {  	_ =	shalt  }
0x4a: {  	_ =	shalt  }
0x4b: {  	_ =	shalt  }
0x4c: {  	_ =	shalt  }
0x4d: {  	_ =	shalt  }
0x4e: {  	_ =	shalt  }
0x4f: {  	_ =	shalt  }
0x50: {  	_ =	shalt  }
0x51: {  	_ =	shalt  }
0x52: {  	_ =	shalt  }
0x53: {  	_ =	shalt  }
0x54: {  	_ =	shalt  }
0x55: {  	_ =	shalt  }
0x56: {  	_ =	shalt  }
0x57: {  	_ =	shalt  }
0x58: {  	_ =	shalt  }
0x59: {  	_ =	shalt  }
0x5a: {  	_ =	shalt  }
0x5b: {  	_ =	shalt  }
0x5c: {  	_ =	shalt  }
0x5d: {  	_ =	shalt  }
0x5e: {  	_ =	shalt  }
0x5f: {  	_ =	shalt  }
0x60: {  	_ =	shalt  }
0x61: {  	_ =	shalt  }
0x62: {  	_ =	shalt  }
0x63: {  	_ =	shalt  }
0x64: {  	_ =	shalt  }
0x65: {  	_ =	shalt  }
0x66: {  	_ =	shalt  }
0x67: {  	_ =	shalt  }
0x68: {  	_ =	shalt  }
0x69: {  	_ =	shalt  }
0x6a: {  	_ =	shalt  }
0x6b: {  	_ =	shalt  }
0x6c: {  	_ =	shalt  }
0x6d: {  	_ =	shalt  }
0x6e: {  	_ =	shalt  }
0x6f: {  	_ =	shalt  }
0x70: {  	_ =	shalt  }
0x71: {  	_ =	shalt  }
0x72: {  	_ =	shalt  }
0x73: {  	_ =	shalt  }
0x74: {  	_ =	shalt  }
0x75: {  	_ =	shalt  }
0x76: {  	_ =	shalt  }
0x77: {  	_ =	shalt  }
0x78: {  	_ =	shalt  }
0x79: {  	_ =	shalt  }
0x7a: {  	_ =	shalt  }
0x7b: {  	_ =	shalt  }
0x7c: {  	_ =	shalt  }
0x7d: {  	_ =	shalt  }
0x7e: {  	_ =	shalt  }
0x7f: {  	_ =	shalt  }
0x80: {  	_ =	shalt  }
0x81: {  	_ =	shalt  }
0x82: {  	_ =	shalt  }
0x83: {  	_ =	shalt  }
0x84: {  	_ =	shalt  }
0x85: {  	_ =	shalt  }
0x86: {  	_ =	shalt  }
0x87: {  	_ =	shalt  }
.Lfunc_end0:
.L_simem_size_0:
called_computation_lowered:
.L_overlay_start_0:
0x88: {  	s0 =	sld [smem:$0x3FD9]  }
0x89: {  	s1 =	sld [smem:$0x3FFE];
	_ =	sdelay $0x3  }
0x8a: {  	s0 =	sadd.s32 s1, s0  }
0x8b: {  	[smem:$0x3FC6] =	sst s0  }
0x8c: {  	_ = 	snop  }
0x8d: {  	s0 =	sld [smem:$0x3FC9]  }
0x8e: {  	s17 =	sld [smem:$0x3FC8]  }
0x8f: {  	s2 =	sld [smem:$0x3FD0];
	(tm) =	ssettm $0x1  }
0x90: {  	s3 =	sld [smem:$0x3FFB];
	_ =	sdelay $0x3  }
0x91: {  	_ =	strace s3  }
0x92: {  	s3 =	sld [smem:$0x3FFC];
	_ =	sdelay $0x3  }
0x93: {  	_ =	strace s3  }
0x94: {  	s3 =	sld [smem:$0x3FFD];
	_ =	sdelay $0x3  }
0x95: {  	_ =	strace s3  }
0x96: {  	_ =	strace $0x8FFFFFFF  }
0x97: {  	s18 =	sld [smem:$0x3FDB];
	_ =	sdelay $0x1  }
0x98: {  	s4 =	simm.s32 $_scs_section_size  }
0x99: {  	s5 =	simm.s32 $_size__tile_overlayer_lowered;
	s6 =	simm.s32 $_tile_overlayer_lowered  }
0x9a: {  	s21 =	simm.s32 $0x1BFF;
	s20 =	sshll.u32 s6, $0x1;
	s3 =	sadd.s32 s4, s18  }
0x9b: {  	s7 =	simm.s32 $0x0;
	s19 =	sshll.u32 s5, $0x1;
	s5 =	sadd.s32 s20, s3  }
0x9c: {  	[timem:s7], [sflag:s21] =	dma.local [hbm:s5], s19  }
0x9d: {  	_ =	swait.ge [sflag:s21], s19  }
0x9e: {  	s4 =	ssub.s32 $0x0, s19;
	[sflag:s21] =	ssyncset.done $0x0  }
0x9f: {  	[sflag:s21] =	ssyncadd.s32 s4;
	_ =	sdelay $0x1  }
0xa0: {  	s22 =	simm.s32 $0x1B8B  }
0xa1: {  	_ =	swait.ge [sflag:s22], $0x1  }
0xa2: {  	[sflag:s22] =	ssyncset.done $0x0  }
0xa3: {  	s23 =	simm.s32 $0x1B8E;
	[sflag:s22] =	ssyncadd.s32 $0xFFFFFFFF  }
0xa4: {  	s24 =	simm.s32 $execute0_lowered;
	[smem:$0x3FD2] =	sst s23  }
0xa5: {  	s4 =	sshll.u32 s24, $0x1;
	_ =	strace $0x80000046;
	[dreg:$0x1] =	wrdreg $0xFFFFFFFF  }
0xa6: {  	s25 =	simm.s32 $_size_execute0_lowered;
	s3 =	sadd.s32 s3, s4;
	[dreg:$0x0] =	wrdreg $0x0  }
0xa7: {  	s4 =	sshll.u32 s25, $0x1;
	[dreg:$0x2] =	wrdreg s3  }
0xa8: {  	[dreg:$0x3] =	wrdreg s4  }
0xa9: {  	[dreg:$0x4] =	wrdreg $0xC0  }
0xaa: {  	_ =	task [dreg:s7], $0x5FFFF  }
0xab: {  	[dreg:$0x1] =	wrdreg $0xFFFFFFFF  }
0xac: {  	[dreg:$0x0] =	wrdreg $0x60  }
0xad: {  	[dreg:$0x2] =	wrdreg s0  }
0xae: {  	[dreg:$0x3] =	wrdreg s17  }
0xaf: {  	[dreg:$0x4] =	wrdreg s2  }
0xb0: {  	[dreg:$0x5] =	wrdreg $0x37800  }
0xb1: {  	[dreg:$0x6] =	wrdreg $0x9  }
0xb2: {  	_ =	task.clear_ibuf [dreg:s7], $0x7FFFF;
	_ =	strace $0x90000046  }
0xb3: {  	s26 =	simm.s32 $0x9;
	_ =	strace $0x80000048  }
0xb4: {  	_ =	swait.ge [sflag:s26], $0x1  }
0xb5: {  	[sflag:s26] =	ssyncadd.s32 $0xFFFFFFFF  }
0xb6: {  	_ =	strace $0x90000048  }
0xb7: {  	_ =	sfence  }
0xb8: {  	s28 =	sld [smem:$0x0];
	_ =	sdelay $0x1  }
0xb9: {  	s29 =	srdreg.scid  }
0xba: {  	s30 =	sshll.u32 s29, $0xD;
	s31 =	sshrl.u32 s29, $0x2  }
0xbb: {  	s1 =	sand.u32 $0x1, s29;
	s2 =	sand.u32 $0x4000, s30;
	s0 =	sadd.s32 s31, s28  }
0xbc: {  	s1 =	sor.u32 s2, s1;
	s0 =	sshll.u32 s0, $0x11  }
0xbd: {  	s0 =	sor.u32 s0, s1  }
0xbe: {  	s0 =	sadd.s32 $0x8F2B, s0  }
0xbf: {  	[sflag:s0] =	ssyncadd.remote.s32 $0x1  }
0xc0: {  	_ =	sfence.sel $0xFFFF  }
0xc1: {  	[dreg:$0x0] =	wrdreg $0xFFFFFFFF;
	(pc) =	sbr.abs _section_cstart, $3  }
0xc2: {  	[dreg:$0x1] =	wrdreg $0xFFFFFFFF  }
0xc3: {  	_ =	task.clear_ibuf [dreg:s7], $0x2FFFF;
	_ =	strace $0x9FFFFFFF  }
0xc4: {  	(tm) =	ssettm $0x7FFFFFFF  }
0xc5: {  	_ =	shalt  }
tec
execute0_lowered:
.L_overlay_start_1:
0x0: {  	(tag) =	ssettag $0x1  }
0x1: {  	s5 =	rddreg [dreg:$0x0]  }
0x2: {  	s6 =	rddreg [dreg:$0x1]  }
0x3: {  	s1 =	rddreg [dreg:$0x2]  }
0x4: {  	s2 =	rddreg [dreg:$0x3]  }
0x5: {  	s0 =	rddreg [dreg:$0x4];
	s4 =	simm.s32 $0x0;
	s3 =	stileid.u32  }
0x6: {  	[smem:$0x7FF] =	sst s4;
	s7 =	sshll.u32 s3, $0xA  }
0x7: {  	s8 =	sshll.u32 s3, $0x9;
	_ =	strace $0x80000047;
	s5 =	sadd.s32 s5, s7  }
0x8: {  	[tilespmem:s4], [sflag:$0x1] =	stream.linear.gather [hbm4b:s5+s4], $0x2000, $0x38;
	[tilespmem:$0x3790] =	vst v63  }
0x9: {  	s18 =	simm.s32 $0x2000;
	s17 =	sadd.s32 s6, s8  }
0xa: {  	v0 =	vimm.f32 $0.0e+00;
	[tilespmem:s18], [sflag:$0x2] =	stream.linear.gather [hbm4b:s17+s4], $0x1000, $0x38;
	[tilespmem:$0x3790] =	vst v63  }
0xb: {  	[tilespmem:$0x3000] =	vst v0  }
0xc: {  	[tilespmem:$0x3010] =	vst v0  }
0xd: {  	[tilespmem:$0x3020] =	vst v0  }
0xe: {  	[tilespmem:$0x3030] =	vst v0  }
0xf: {  	[tilespmem:$0x3040] =	vst v0  }
0x10: {  	[tilespmem:$0x3050] =	vst v0  }
0x11: {  	[tilespmem:$0x3060] =	vst v0  }
0x12: {  	[tilespmem:$0x3070] =	vst v0  }
0x13: {  	[tilespmem:$0x3080] =	vst v0  }
0x14: {  	[tilespmem:$0x3090] =	vst v0  }
0x15: {  	[tilespmem:$0x30A0] =	vst v0  }
0x16: {  	[tilespmem:$0x30B0] =	vst v0  }
0x17: {  	[tilespmem:$0x30C0] =	vst v0  }
0x18: {  	[tilespmem:$0x30D0] =	vst v0  }
0x19: {  	[tilespmem:$0x30E0] =	vst v0  }
0x1a: {  	[tilespmem:$0x30F0] =	vst v0  }
0x1b: {  	[tilespmem:$0x3100] =	vst v0  }
0x1c: {  	[tilespmem:$0x3110] =	vst v0  }
0x1d: {  	[tilespmem:$0x3120] =	vst v0  }
0x1e: {  	[tilespmem:$0x3130] =	vst v0  }
0x1f: {  	[tilespmem:$0x3140] =	vst v0  }
0x20: {  	[tilespmem:$0x3150] =	vst v0  }
0x21: {  	[tilespmem:$0x3160] =	vst v0  }
0x22: {  	[tilespmem:$0x3170] =	vst v0  }
0x23: {  	[tilespmem:$0x3180] =	vst v0  }
0x24: {  	[tilespmem:$0x3190] =	vst v0  }
0x25: {  	[tilespmem:$0x31A0] =	vst v0  }
0x26: {  	[tilespmem:$0x31B0] =	vst v0  }
0x27: {  	[tilespmem:$0x31C0] =	vst v0  }
0x28: {  	[tilespmem:$0x31D0] =	vst v0  }
0x29: {  	[tilespmem:$0x31E0] =	vst v0  }
0x2a: {  	[tilespmem:$0x31F0] =	vst v0  }
0x2b: {  	[tilespmem:$0x3200] =	vst v0  }
0x2c: {  	[tilespmem:$0x3210] =	vst v0  }
0x2d: {  	[tilespmem:$0x3220] =	vst v0  }
0x2e: {  	[tilespmem:$0x3230] =	vst v0  }
0x2f: {  	[tilespmem:$0x3240] =	vst v0  }
0x30: {  	[tilespmem:$0x3250] =	vst v0  }
0x31: {  	[tilespmem:$0x3260] =	vst v0  }
0x32: {  	[tilespmem:$0x3270] =	vst v0  }
0x33: {  	[tilespmem:$0x3280] =	vst v0  }
0x34: {  	[tilespmem:$0x3290] =	vst v0  }
0x35: {  	[tilespmem:$0x32A0] =	vst v0  }
0x36: {  	[tilespmem:$0x32B0] =	vst v0  }
0x37: {  	[tilespmem:$0x32C0] =	vst v0  }
0x38: {  	[tilespmem:$0x32D0] =	vst v0  }
0x39: {  	[tilespmem:$0x32E0] =	vst v0  }
0x3a: {  	[tilespmem:$0x32F0] =	vst v0  }
0x3b: {  	[tilespmem:$0x3300] =	vst v0  }
0x3c: {  	[tilespmem:$0x3310] =	vst v0  }
0x3d: {  	[tilespmem:$0x3320] =	vst v0  }
0x3e: {  	[tilespmem:$0x3330] =	vst v0  }
0x3f: {  	[tilespmem:$0x3340] =	vst v0  }
0x40: {  	[tilespmem:$0x3350] =	vst v0  }
0x41: {  	[tilespmem:$0x3360] =	vst v0  }
0x42: {  	[tilespmem:$0x3370] =	vst v0  }
0x43: {  	[tilespmem:$0x3380] =	vst v0  }
0x44: {  	[tilespmem:$0x3390] =	vst v0  }
0x45: {  	[tilespmem:$0x33A0] =	vst v0  }
0x46: {  	[tilespmem:$0x33B0] =	vst v0  }
0x47: {  	[tilespmem:$0x33C0] =	vst v0  }
0x48: {  	[tilespmem:$0x33D0] =	vst v0  }
0x49: {  	[tilespmem:$0x33E0] =	vst v0  }
0x4a: {  	s19 =	simm.s32 $0x1;
	[tilespmem:$0x33F0] =	vst v0  }
0x4b: {  	_ =	swait.ge [sflag:s19], $0x2000  }
0x4c: {  	[sflag:s19] =	ssyncset.done $0x0  }
0x4d: {  	s20 =	simm.s32 $0x2;
	[sflag:s19] =	ssyncadd.s32 $0xFFFFE000  }
0x4e: {  	s21 =	simm.s32 $0x20;
	_ =	swait.ge [sflag:s20], $0x1000  }
0x4f: {  	s6 =	sand.u32 $0x60, s21;
	s4 =	sand.u32 $0x1F00, s4;
	[sflag:s20] =	ssyncset.done $0x0  }
0x50: {  	s22 =	simm.s32 $0x0;
	s6 =	sor.u32 s6, s4;
	[sflag:s20] =	ssyncadd.s32 $0xFFFFF000  }
0x51: {  	s23 =	simm.s32 $0x10;
	s5 =	sand.u32 $0x40, s22;
	v1 =	vld [tilespmem:s6+$0x0]  }
0x52: {  	s24 =	simm.s32 $0x30;
	s7 =	sand.u32 $0x50, s23;
	s5 =	sor.u32 s5, s4;
	v2 =	vld [tilespmem:s6+$0x80]  }
0x53: {  	s25 =	sand.u32 $0x70, s24;
	s7 =	sor.u32 s7, s4;
	v6 =	vld [tilespmem:s5+$0x0]  }
0x54: {  	v0 =	vlaneseq.u32;
	s4 =	sor.u32 s25, s4;
	v7 =	vld [tilespmem:s7+$0x0]  }
0x55: {  	v0 =	vmul.u32 $0x10, v0;
	v8 =	vld [tilespmem:s4+$0x0]  }
0x56: {  	v9 =	vld [tilespmem:s5+$0x80];
	v3 =	vshll.u32 v1, $0x2  }
0x57: {  	s26 =	simm.s32 $0x2020;
	v10 =	vld [tilespmem:s7+$0x80];
	v1 =	vor.u32 $0x200, v0;
	v2 =	vadd.s32 v2, v3  }
0x58: {  	v5 =	vld [tilespmem:s26+$0x0];
	v11 =	vadd.s32 v1, v2  }
0x59: {  	s30 =	simm.s32 $0x40;
	v12 =	vld [tilespmem:s4+$0x80];
	s5 =	simm.s32 $0x80  }
0x5a: {  	s8 =	sand.u32 $0x40, s30;
	v4 =	vld [tilespmem:s26+$0x10];
	s6 =	simm.s32 $0x2060;
	s29 =	sand.u32 $0x1F00, s5  }
0x5b: {  	s28 =	simm.s32 $0x60;
	v19 =	vld [tilespmem:s6+$0x0];
	s8 =	sor.u32 s8, s29  }
0x5c: {  	s4 =	simm.s32 $0x3000;
	s7 =	sand.u32 $0x60, s28;
	v14 =	vld [tilespmem:s8+$0x0]  }
0x5d: {  	s9 =	simm.s32 $0x50;
	s7 =	sor.u32 s7, s29;
	[tilespmem:v11+s4+$0x0] =	vst.idx.add.f32.msk $0xffff, v5  }
0x5e: {  	s9 =	sand.u32 $0x50, s9;
	v5 =	vld [tilespmem:s7+$0x0]  }
0x5f: {  	s9 =	sor.u32 s9, s29;
	v11 =	vld [tilespmem:s7+$0x80]  }
0x60: {  	v15 =	vld [tilespmem:s9+$0x0]  }
0x61: {  	v17 =	vld [tilespmem:s8+$0x80]  }
0x62: {  	s10 =	simm.s32 $0x70;
	v18 =	vld [tilespmem:s9+$0x80]  }
0x63: {  	s31 =	sand.u32 $0x70, s10;
	v6 =	vshll.u32 v6, $0x2;
	v3 =	vld [tilespmem:s26+$0xFFFFFFF0];
	v13 =	vshll.u32 v5, $0x2  }
0x64: {  	v7 =	vshll.u32 v7, $0x2;
	v8 =	vshll.u32 v8, $0x2;
	v2 =	vld [tilespmem:s26+$0xFFFFFFE0];
	s7 =	sor.u32 s31, s29;
	v11 =	vadd.s32 v11, v13  }
0x65: {  	v9 =	vadd.s32 v9, v6;
	v21 =	vadd.s32 v10, v7;
	v16 =	vld [tilespmem:s7+$0x0];
	v20 =	vadd.s32 v1, v11  }
0x66: {  	v6 =	vor.u32 $0x300, v0;
	v7 =	vadd.s32 v0, v9;
	v5 =	vor.u32 $0x100, v0;
	v13 =	vld [tilespmem:s7+$0x80]  }
0x67: {  	v8 =	vadd.s32 v12, v8;
	v10 =	vshll.u32 v14, $0x2;
	v9 =	vadd.s32 v5, v21;
	v11 =	vld [tilespmem:s6+$0xFFFFFFE0]  }
0x68: {  	v8 =	vadd.s32 v6, v8;
	v12 =	vshll.u32 v15, $0x2;
	v14 =	vadd.s32 v17, v10;
	v10 =	vld [tilespmem:s6+$0xFFFFFFF0]  }
0x69: {  	v17 =	vadd.s32 v18, v12;
	v12 =	vld [tilespmem:s6+$0x10]  }
0x6a: {  	s8 =	simm.s32 $0xB0;
	v15 =	vadd.s32 v0, v14;
	s7 =	simm.s32 $0x4;
	v16 =	vshll.u32 v16, $0x2;
	v14 =	vadd.s32 v5, v17;
	[tilespmem:v20+s4+$0x0] =	vst.idx.add.f32.msk $0xffff, v19  }
.LBB2_1:
0x6b: {  	s9 =	sadd.s32 $0xFFFFFFF0, s8;
	s7 =	sadd.s32 $0x4, s7;
	v13 =	vadd.s32 v13, v16;
	s5 =	sadd.s32 $0x80, s5;
	[tilespmem:v7+s4+$0x0] =	vst.idx.add.f32.msk $0xffff, v2;
	v7 =	vmov v15  }
0x6c: {  	s10 =	sand.u32 $0x1F00, s5;
	s9 =	sand.u32 $0x60, s9;
	p0 =	slt.u32 s7, $0xFC;
	v13 =	vadd.s32 v6, v13;
	[tilespmem:v9+s4+$0x0] =	vst.idx.add.f32.msk $0xffff, v3;
	v2 =	vmov v11;
	v9 =	vmov v14  }
0x6d: {  	s11 =	sadd.s32 $0xFFFFFFD0, s8;
	s12 =	sadd.s32 $0xFFFFFFE0, s8;
	s9 =	sor.u32 s9, s10;
	[tilespmem:v8+s4+$0x0] =	vst.idx.add.f32.msk $0xffff, v4;
	v8 =	vmov v13;
	v3 =	vmov v10  }
0x6e: {  	s13 =	sand.u32 $0x70, s8;
	s11 =	sand.u32 $0x40, s11;
	s12 =	sand.u32 $0x50, s12;
	v10 =	vld [tilespmem:s9+$0x0];
	v4 =	vmov v12  }
0x6f: {  	s11 =	sor.u32 s11, s10;
	s12 =	sor.u32 s12, s10;
	v11 =	vld [tilespmem:s9+$0x80];
	s9 =	sor.u32 s13, s10  }
0x70: {  	v12 =	vld [tilespmem:s11+$0x0]  }
0x71: {  	v13 =	vld [tilespmem:s12+$0x0]  }
0x72: {  	v14 =	vld [tilespmem:s9+$0x0]  }
0x73: {  	v15 =	vld [tilespmem:s11+$0x80];
	v10 =	vshll.u32 v10, $0x2  }
0x74: {  	s6 =	sadd.s32 $0x40, s6;
	v17 =	vld [tilespmem:s12+$0x80];
	v10 =	vadd.s32 v11, v10  }
0x75: {  	v12 =	vshll.u32 v12, $0x2;
	v18 =	vld [tilespmem:s6+$0x0];
	v19 =	vadd.s32 v1, v10  }
.Ltmp0:
0x76: {  	v20 =	vshll.u32 v13, $0x2;
	v13 =	vld [tilespmem:s9+$0x80];
	(pc) =	sbr.rel @p0 .LBB2_1-.Ltmp0, $4  }
0x77: {  	v11 =	vld [tilespmem:s6+$0xFFFFFFE0];
	v16 =	vshll.u32 v14, $0x2  }
0x78: {  	v12 =	vadd.s32 v15, v12;
	v10 =	vld [tilespmem:s6+$0xFFFFFFF0]  }
0x79: {  	v15 =	vadd.s32 v0, v12;
	v14 =	vadd.s32 v17, v20;
	v12 =	vld [tilespmem:s6+$0x10]  }
0x7a: {  	s8 =	sadd.s32 $0x40, s8;
	v14 =	vadd.s32 v5, v14;
	[tilespmem:v19+s4+$0x0] =	vst.idx.add.f32.msk $0xffff, v18  }
0x7b: {  	_ =	sdelay $0x2  }
0x7c: {  	v0 =	vadd.s32 v13, v16  }
0x7d: {  	[tilespmem:v7+s4+$0x0] =	vst.idx.add.f32.msk $0xffff, v2;
	v0 =	vadd.s32 v6, v0  }
0x7e: {  	[tilespmem:v9+s4+$0x0] =	vst.idx.add.f32.msk $0xffff, v3  }
0x7f: {  	[tilespmem:v8+s4+$0x0] =	vst.idx.add.f32.msk $0xffff, v4  }
0x80: {  	[tilespmem:v15+s4+$0x0] =	vst.idx.add.f32.msk $0xffff, v11  }
0x81: {  	[tilespmem:v14+s4+$0x0] =	vst.idx.add.f32.msk $0xffff, v10  }
0x82: {  	[tilespmem:v0+s4+$0x0] =	vst.idx.add.f32.msk $0xffff, v12  }
0x83: {  	v0 =	vld [tilespmem:$0x3000]  }
0x84: {  	v1 =	vld [tilespmem:$0x3010];
	_ =	sdelay $0x1  }
0x85: {  	v2 =	vld [tilespmem:$0x3020];
	_ =	sdelay $0x1  }
0x86: {  	v3 =	vld [tilespmem:$0x3030]  }
0x87: {  	v0 =	vadd.f32 v1, v0  }
0x88: {  	v62 =	vld [tilespmem:$0x3040]  }
0x89: {  	v0 =	vadd.f32 v2, v0  }
0x8a: {  	v63 =	vld [tilespmem:$0x3050]  }
0x8b: {  	v0 =	vadd.f32 v3, v0  }
0x8c: {  	v6 =	vld [tilespmem:$0x3060]  }
0x8d: {  	v0 =	vadd.f32 v62, v0  }
0x8e: {  	v7 =	vld [tilespmem:$0x3070]  }
0x8f: {  	v0 =	vadd.f32 v63, v0  }
0x90: {  	v8 =	vld [tilespmem:$0x3080]  }
0x91: {  	v0 =	vadd.f32 v6, v0  }
0x92: {  	v9 =	vld [tilespmem:$0x3090]  }
0x93: {  	v0 =	vadd.f32 v7, v0  }
0x94: {  	v10 =	vld [tilespmem:$0x30A0]  }
0x95: {  	v0 =	vadd.f32 v8, v0  }
0x96: {  	v11 =	vld [tilespmem:$0x30B0]  }
0x97: {  	v0 =	vadd.f32 v9, v0  }
0x98: {  	v12 =	vld [tilespmem:$0x30C0]  }
0x99: {  	v0 =	vadd.f32 v10, v0  }
0x9a: {  	v13 =	vld [tilespmem:$0x30D0]  }
0x9b: {  	v0 =	vadd.f32 v11, v0  }
0x9c: {  	v14 =	vld [tilespmem:$0x30E0]  }
0x9d: {  	v0 =	vadd.f32 v12, v0  }
0x9e: {  	v15 =	vld [tilespmem:$0x30F0]  }
0x9f: {  	v0 =	vadd.f32 v13, v0  }
0xa0: {  	v16 =	vld [tilespmem:$0x3100]  }
0xa1: {  	v0 =	vadd.f32 v14, v0  }
0xa2: {  	v17 =	vld [tilespmem:$0x3110]  }
0xa3: {  	v0 =	vadd.f32 v15, v0  }
0xa4: {  	v18 =	vld [tilespmem:$0x3120]  }
0xa5: {  	v0 =	vadd.f32 v16, v0  }
0xa6: {  	v19 =	vld [tilespmem:$0x3130]  }
0xa7: {  	v0 =	vadd.f32 v17, v0  }
0xa8: {  	v20 =	vld [tilespmem:$0x3140]  }
0xa9: {  	v0 =	vadd.f32 v18, v0  }
0xaa: {  	v21 =	vld [tilespmem:$0x3150]  }
0xab: {  	v0 =	vadd.f32 v19, v0  }
0xac: {  	v22 =	vld [tilespmem:$0x3160]  }
0xad: {  	v0 =	vadd.f32 v20, v0  }
0xae: {  	v23 =	vld [tilespmem:$0x3170]  }
0xaf: {  	v0 =	vadd.f32 v21, v0  }
0xb0: {  	v24 =	vld [tilespmem:$0x3180]  }
0xb1: {  	v0 =	vadd.f32 v22, v0  }
0xb2: {  	v25 =	vld [tilespmem:$0x3190]  }
0xb3: {  	v0 =	vadd.f32 v23, v0  }
0xb4: {  	v26 =	vld [tilespmem:$0x31A0]  }
0xb5: {  	v0 =	vadd.f32 v24, v0  }
0xb6: {  	v27 =	vld [tilespmem:$0x31B0]  }
0xb7: {  	v0 =	vadd.f32 v25, v0  }
0xb8: {  	v28 =	vld [tilespmem:$0x31C0]  }
0xb9: {  	v0 =	vadd.f32 v26, v0  }
0xba: {  	v29 =	vld [tilespmem:$0x31D0]  }
0xbb: {  	v0 =	vadd.f32 v27, v0  }
0xbc: {  	v30 =	vld [tilespmem:$0x31E0]  }
0xbd: {  	v0 =	vadd.f32 v28, v0  }
0xbe: {  	v31 =	vld [tilespmem:$0x31F0]  }
0xbf: {  	v0 =	vadd.f32 v29, v0  }
0xc0: {  	v32 =	vld [tilespmem:$0x3200]  }
0xc1: {  	v0 =	vadd.f32 v30, v0  }
0xc2: {  	v33 =	vld [tilespmem:$0x3210]  }
0xc3: {  	v0 =	vadd.f32 v31, v0  }
0xc4: {  	v34 =	vld [tilespmem:$0x3220]  }
0xc5: {  	v0 =	vadd.f32 v32, v0  }
0xc6: {  	v35 =	vld [tilespmem:$0x3230]  }
0xc7: {  	v0 =	vadd.f32 v33, v0  }
0xc8: {  	v36 =	vld [tilespmem:$0x3240]  }
0xc9: {  	v0 =	vadd.f32 v34, v0  }
0xca: {  	v37 =	vld [tilespmem:$0x3250]  }
0xcb: {  	v0 =	vadd.f32 v35, v0  }
0xcc: {  	v38 =	vld [tilespmem:$0x3260]  }
0xcd: {  	v0 =	vadd.f32 v36, v0  }
0xce: {  	v39 =	vld [tilespmem:$0x3270]  }
0xcf: {  	v0 =	vadd.f32 v37, v0  }
0xd0: {  	v40 =	vld [tilespmem:$0x3280]  }
0xd1: {  	v0 =	vadd.f32 v38, v0  }
0xd2: {  	v41 =	vld [tilespmem:$0x3290]  }
0xd3: {  	v0 =	vadd.f32 v39, v0  }
0xd4: {  	v42 =	vld [tilespmem:$0x32A0]  }
0xd5: {  	v0 =	vadd.f32 v40, v0  }
0xd6: {  	v43 =	vld [tilespmem:$0x32B0]  }
0xd7: {  	v0 =	vadd.f32 v41, v0  }
0xd8: {  	v44 =	vld [tilespmem:$0x32C0]  }
0xd9: {  	v0 =	vadd.f32 v42, v0  }
0xda: {  	v45 =	vld [tilespmem:$0x32D0]  }
0xdb: {  	v0 =	vadd.f32 v43, v0  }
0xdc: {  	v46 =	vld [tilespmem:$0x32E0]  }
0xdd: {  	v0 =	vadd.f32 v44, v0  }
0xde: {  	v47 =	vld [tilespmem:$0x32F0]  }
0xdf: {  	v0 =	vadd.f32 v45, v0  }
0xe0: {  	v48 =	vld [tilespmem:$0x3300]  }
0xe1: {  	v0 =	vadd.f32 v46, v0  }
0xe2: {  	v49 =	vld [tilespmem:$0x3310]  }
0xe3: {  	v0 =	vadd.f32 v47, v0  }
0xe4: {  	v50 =	vld [tilespmem:$0x3320]  }
0xe5: {  	v0 =	vadd.f32 v48, v0  }
0xe6: {  	v51 =	vld [tilespmem:$0x3330]  }
0xe7: {  	v0 =	vadd.f32 v49, v0  }
0xe8: {  	v52 =	vld [tilespmem:$0x3340]  }
0xe9: {  	v0 =	vadd.f32 v50, v0  }
0xea: {  	v53 =	vld [tilespmem:$0x3350]  }
0xeb: {  	v0 =	vadd.f32 v51, v0  }
0xec: {  	v54 =	vld [tilespmem:$0x3360]  }
0xed: {  	v0 =	vadd.f32 v52, v0  }
0xee: {  	v55 =	vld [tilespmem:$0x3370]  }
0xef: {  	v0 =	vadd.f32 v53, v0  }
0xf0: {  	v56 =	vld [tilespmem:$0x3380]  }
0xf1: {  	v0 =	vadd.f32 v54, v0  }
0xf2: {  	v57 =	vld [tilespmem:$0x3390]  }
0xf3: {  	v0 =	vadd.f32 v55, v0  }
0xf4: {  	v58 =	vld [tilespmem:$0x33A0]  }
0xf5: {  	v0 =	vadd.f32 v56, v0  }
0xf6: {  	v59 =	vld [tilespmem:$0x33B0]  }
0xf7: {  	v0 =	vadd.f32 v57, v0  }
0xf8: {  	v60 =	vld [tilespmem:$0x33C0]  }
0xf9: {  	v0 =	vadd.f32 v58, v0  }
0xfa: {  	v61 =	vld [tilespmem:$0x33D0]  }
0xfb: {  	v0 =	vadd.f32 v59, v0  }
0xfc: {  	v62 =	vld [tilespmem:$0x33E0]  }
0xfd: {  	v0 =	vadd.f32 v60, v0  }
0xfe: {  	v63 =	vld [tilespmem:$0x33F0]  }
0xff: {  	v0 =	vadd.f32 v61, v0;
	_ =	sdelay $0x1  }
0x100: {  	v0 =	vadd.f32 v62, v0;
	_ =	sdelay $0x1  }
0x101: {  	v0 =	vadd.f32 v63, v0  }
0x102: {  	s31 =	sshll.u32 s3, $0x4  }
0x103: {  	s5 =	simm.s32 $0x3400;
	s4 =	sadd.s32 s31, s2;
	[tilespmem:$0x3400] =	vst v0  }
0x104: {  	[spmem:s4] =	stream.linear.scatter [tilespmem:s5], [sflag:$0x3], $0x10, $0x38;
	[tilespmem:$0x3790] =	vst v63  }
0x105: {  	s4 =	simm.s32 $0x3  }
0x106: {  	_ =	swait.ge [sflag:s4], $0x10  }
0x107: {  	[sflag:s4] =	ssyncset.done $0x0  }
0x108: {  	[sflag:s4] =	ssyncadd.s32 $0xFFFFFFF0  }
0x109: {  	p0 =	sne.s32 s3, $0x0;
	[bflag:$0x0] =	sbarrier.arrive $0xFFFF  }
0x10a: {  	_ =	sfence.sel @p0 $0x180000  }
0x10b: {  	[bflag:$0x0] =	sbarrier.arrive @p0 $0xFFFF  }
0x10c: {  	_ =	strace @p0 $0x90000047  }
0x10d: {  	[bflag:$0x2] =	sbarrier.arrive @p0 $0xFFFF  }
0x10e: {  	_ =	shalt @p0  }
.LBB2_3:
0x10f: {  	s3 =	simm.s32 $0x3480  }
0x110: {  	[tilespmem:s3], [sflag:$0x3] =	stream.linear.gather [spmem:s2], $0x100, $0x38;
	[tilespmem:$0x3790] =	vst v63  }
0x111: {  	_ =	swait.ge [sflag:s4], $0x100  }
0x112: {  	[sflag:s4] =	ssyncset.done $0x0  }
0x113: {  	[sflag:s4] =	ssyncadd.s32 $0xFFFFFF00  }
0x114: {  	v0 =	vld [tilespmem:$0x3480]  }
0x115: {  	v1 =	vld [tilespmem:$0x3490];
	_ =	sdelay $0x1  }
0x116: {  	v2 =	vld [tilespmem:$0x34A0];
	_ =	sdelay $0x1  }
0x117: {  	v3 =	vld [tilespmem:$0x34B0]  }
0x118: {  	v0 =	vadd.f32 v1, v0  }
0x119: {  	v52 =	vld [tilespmem:$0x34C0]  }
0x11a: {  	v0 =	vadd.f32 v2, v0  }
0x11b: {  	v53 =	vld [tilespmem:$0x34D0]  }
0x11c: {  	v0 =	vadd.f32 v3, v0  }
0x11d: {  	v54 =	vld [tilespmem:$0x34E0]  }
0x11e: {  	v0 =	vadd.f32 v52, v0  }
0x11f: {  	v55 =	vld [tilespmem:$0x34F0]  }
0x120: {  	v0 =	vadd.f32 v53, v0  }
0x121: {  	v56 =	vld [tilespmem:$0x3500]  }
0x122: {  	v0 =	vadd.f32 v54, v0  }
0x123: {  	v57 =	vld [tilespmem:$0x3510]  }
0x124: {  	v58 =	vimm.s32 $0x3210;
	v0 =	vadd.f32 v55, v0  }
0x125: {  	v4 =	vld [tilespmem:$0x3520];
	v1 =	vunpack.c.l.s4.s8 v58  }
0x126: {  	v59 =	vimm.s32 $0x83828180;
	v0 =	vadd.f32 v56, v0  }
0x127: {  	v5 =	vld [tilespmem:$0x3530];
	v1 =	vunpack.c.0.s8.s32 v1;
	v2 =	vunpack.c.0.s8.s32 v59  }
0x128: {  	vm0 =	vcmask $0xF00;
	v0 =	vadd.f32 v57, v0  }
0x129: {  	vm8 =	vcmask $0x1F10;
	v60 =	vld [tilespmem:$0x3540];
	v1 =	vnsel vm0, $0x183, v1;
	v2 =	vand.u32 $0xFF, v2  }
0x12a: {  	vm9 =	vcmask $0x2320;
	v1 =	vsel vm8, v2, v1;
	v0 =	vadd.f32 v4, v0  }
0x12b: {  	vm10 =	vcmask $0x2724;
	v61 =	vld [tilespmem:$0x3550];
	v1 =	vsel vm9, $0x100, v1  }
0x12c: {  	vm11 =	vcmask $0x2B28;
	v1 =	vsel vm10, $0x101, v1;
	v0 =	vadd.f32 v5, v0  }
0x12d: {  	vm12 =	vcmask $0x2F2C;
	v62 =	vld [tilespmem:$0x3560];
	v1 =	vsel vm11, $0x102, v1  }
0x12e: {  	vm13 =	vcmask $0x3330;
	v1 =	vsel vm12, $0x103, v1;
	v0 =	vadd.f32 v60, v0  }
0x12f: {  	vm14 =	vcmask $0x3734;
	v63 =	vld [tilespmem:$0x3570];
	v1 =	vsel vm13, $0x180, v1  }
0x130: {  	vm15 =	vcmask $0x3B38;
	v1 =	vsel vm14, $0x181, v1;
	v0 =	vadd.f32 v61, v0  }
0x131: {  	v1 =	vsel vm15, $0x182, v1  }
0x132: {  	v0 =	vadd.f32 v62, v0;
	_ =	sdelay $0x1  }
0x133: {  	v0 =	vadd.f32 v63, v0  }
0x134: {  	s30 =	simm.s32 $0x3580  }
0x135: {  	s31 =	simm.s32 $0x0;
	[tilespmem:v1+s30+$0x0] =	vst.idx.msk $0xffff, v0  }
0x136: {  	[hbm4b:s1+s31] =	stream.linear.scatter [tilespmem:s30], [sflag:$0x3], $0x200, $0x38;
	[tilespmem:$0x3790] =	vst v63  }
0x137: {  	_ =	swait.ge [sflag:s4], $0x200  }
0x138: {  	[sflag:s4] =	ssyncset.done $0x0  }
0x139: {  	[sflag:s4] =	ssyncadd.s32 $0xFFFFFE00  }
0x13a: {  	_ =	sfence.sel $0x180000  }
0x13b: {  	[bflag:$0x0] =	sbarrier.arrive $0xFFFF  }
0x13c: {  	_ =	strace $0x90000047  }
0x13d: {  	s0 =	sadd.s32 $0x100000, s0;
	[bflag:$0x2] =	sbarrier.arrive $0xFFFF  }
0x13e: {  	[sflag:s0] =	ssyncadd.tile.s32 $0x1;
	_ =	shalt  }
.Lfunc_end2:
_tile_overlayer_lowered:
.L_overlay_start_2:
0x13f: {  	(tag) =	ssettag $0x2  }
0x140: {  	s0 =	rddreg [dreg:$0x0];
	s2 =	stileid.u32  }
0x141: {  	s1 =	rddreg [dreg:$0x1];
	p0 =	sne.s32 s2, $0x0  }
0x142: {  	s3 =	rddreg [dreg:$0x2];
	[bflag:$0x3] =	sbarrier.arrive $0xFFFF;
	s2 =	simm.s32 @!p0 $0x1C03  }
0x143: {  	[timem:s3], [sflag:s2] =	dma.local @!p0 [hbm:s0], s1  }
0x144: {  	s0 =	simm.s32 @!p0 $0x3  }
0x145: {  	_ =	swait.ge @!p0 [sflag:s0], s1  }
0x146: {  	s1 =	ssub.s32 @!p0 $0x0, s1;
	[sflag:s0] =	ssyncset.done @!p0 $0x0  }
0x147: {  	[sflag:s0] =	ssyncadd.s32 @!p0 s1  }
0x148: {  	[bflag:$0x3] =	sbarrier.arrive $0xFFFF  }
0x149: {  	_ =	shalt  }

</sc_bundles>
